<compile_context>
chip_gen: v7x
topology: tpu7x:2x2x1
jax: 0.10.2.dev20260603
libtpu: 0.0.44.dev20260713+nightly
codegen_flags: <defaults>
</compile_context>

<pallas_src>
import functools

import numpy as np

import jax
import jax.numpy as jnp
from jax import lax
from jax.experimental import pallas as pl
from jax.experimental.pallas import tpu as pltpu
from jax.experimental.pallas import tpu_sc as plsc


_F32 = jnp.float32
_SEC = 8448
_S2 = 4096
_NT2 = 2

_H1_ORDER = np.concatenate([
    np.arange(1, 33) * 4 - 2,
    np.arange(1, 33) * 4 - 1,
    np.arange(0, 32) * 4,
    np.arange(0, 32) * 4 + 1,
])
_PAD_CHUNKS = (0, _SEC, 2 * _SEC + 8192, 3 * _SEC + 8192)


def _fused_kernel(p1_ref, w1_ref, b1_ref, rw1_ref, rb1_ref,
                  w2_ref, b2_ref, rw2_ref, rb2_ref, cb_ref, kio_ref,
                  bvq_ref, idx_ref, gscr):
    for col in _PAD_CHUNKS:
        gscr[:, col:col + 256] = jnp.zeros((48, 256), _F32)
    p1s = p1_ref[0]
    y = jnp.dot(w1_ref[...], p1s, preferred_element_type=_F32) + b1_ref[...]
    y = jax.nn.gelu(y)
    z = jnp.dot(rw1_ref[...], y, preferred_element_type=_F32) + rb1_ref[...]
    g1 = z[:48] * jax.nn.sigmoid(z[48:])
    for r in range(4):
        off = _SEC * r + (256 if r < 2 else 0)
        gscr[:, off:off + 8192] = g1[:, 8192 * r:8192 * (r + 1)]

    cb = cb_ref[...]
    cbsq = jnp.sum(cb * cb, axis=1, keepdims=True)
    a_aug = jnp.concatenate([cb * -2.0, cbsq], axis=1)
    for t in range(_NT2):
        pieces = []
        for kh in range(8):
            q, r = kh // 4, kh % 4
            off = _SEC * r + 256 * q + _S2 * t
            pieces.append(gscr[:, off:off + _S2])
        p2 = jnp.concatenate(pieces, axis=0)
        y = jnp.dot(w2_ref[...], p2, preferred_element_type=_F32) + b2_ref[...]
        y = jax.nn.gelu(y)
        z = jnp.dot(rw2_ref[...], y, preferred_element_type=_F32) + rb2_ref[...]
        g = z[:96] * jax.nn.sigmoid(z[96:])
        bvq_ref[0, :, _S2 * t:_S2 * (t + 1)] = g

        g_aug = jnp.concatenate([g, jnp.ones((1, _S2), _F32)], axis=0)
        dist = jnp.dot(a_aug, g_aug, preferred_element_type=_F32)
        minval = jnp.min(dist, axis=0, keepdims=True)
        idxf = jnp.min(jnp.where(dist == minval, kio_ref[...], 2048.0), axis=0,
                       keepdims=True)
        idx_ref[0, :, _S2 * t:_S2 * (t + 1)] = idxf.astype(jnp.int32)


def _sc_gather(table, idx_flat):
    info = plsc.get_sparse_core_info()
    nc, ns = info.num_cores, info.num_subcores
    nw = nc * ns
    n_tok = idx_flat.shape[0]
    d = table.shape[1]
    per_w = n_tok // nw
    chunk = 512
    n_chunks = per_w // chunk
    mesh = plsc.VectorSubcoreMesh(core_axis_name="c", subcore_axis_name="s")

    @functools.partial(
        pl.kernel, mesh=mesh,
        out_type=jax.ShapeDtypeStruct((n_tok, d), _F32),
        scratch_types=[
            pltpu.VMEM((chunk,), jnp.int32),
            pltpu.VMEM((chunk, d), _F32),
            pltpu.VMEM_SHARED((table.shape[0], d), _F32),
            pltpu.SemaphoreType.DMA,
        ],
    )
    def k(table_hbm, idx_hbm, out_hbm, idx_v, rows_v, tab_sh, sem):
        sid = lax.axis_index("s")
        @pl.when(sid == 0)
        def _():
            pltpu.sync_copy(table_hbm, tab_sh)
        plsc.subcore_barrier()
        wid = sid * nc + lax.axis_index("c")
        base = wid * per_w
        for c in range(n_chunks):
            lo = base + c * chunk
            pltpu.sync_copy(idx_hbm.at[pl.ds(lo, chunk)], idx_v)
            pltpu.async_copy(tab_sh.at[idx_v], rows_v, sem).wait()
            pltpu.sync_copy(rows_v, out_hbm.at[pl.ds(lo, chunk)])

    return k(table, idx_flat)


def _encode_half(xh, w1m, b1, rw1m, rb1, w2m, b2, rw2m, rb2, codebook):
    Bh = xh.shape[0]
    N1 = 128 * 256
    N2 = 32 * 256
    xp = jnp.pad(xh, ((0, 0), (0, 0), (2, 2), (0, 0)))
    p1 = jnp.stack([xp[:, :, kh:kh + 509:4, :] for kh in range(8)], axis=1)
    p1 = p1[:, :, :, _H1_ORDER, :].reshape(Bh, 16, N1)

    full = lambda *s: pl.BlockSpec(s, lambda b: tuple(0 for _ in s))
    bvq, idx = pl.pallas_call(
        _fused_kernel,
        grid=(Bh,),
        in_specs=[
            pl.BlockSpec((1, 16, N1), lambda b: (b, 0, 0)),
            full(48, 16), full(48, 1), full(96, 48), full(96, 1),
            full(96, 384), full(96, 1), full(192, 96), full(192, 1),
            full(1024, 96), full(1024, 1),
        ],
        out_specs=[
            pl.BlockSpec((1, 96, N2), lambda b: (b, 0, 0)),
            pl.BlockSpec((1, 1, N2), lambda b: (b, 0, 0)),
        ],
        out_shape=[
            jax.ShapeDtypeStruct((Bh, 96, N2), _F32),
            jax.ShapeDtypeStruct((Bh, 1, N2), jnp.int32),
        ],
        scratch_shapes=[pltpu.VMEM((48, 4 * _SEC), _F32)],
    )(p1, w1m, b1, rw1m, rb1, w2m, b2, rw2m, rb2, codebook,
      jnp.arange(1024, dtype=_F32)[:, None])
    return bvq, idx.reshape(Bh, N2)


def kernel(x, conv1_w, conv1_b, rw1_w, rw1_b, conv2_w, conv2_b, rw2_w, rw2_b,
           codebook):
    B = x.shape[0]
    NSPLIT = 4
    Bh = B // NSPLIT
    N2 = 32 * 256

    w1m = jnp.transpose(conv1_w[:, :, :, 0], (0, 2, 1)).reshape(48, 16)
    w2m = jnp.transpose(conv2_w[:, :, :, 0], (0, 2, 1)).reshape(96, 384)
    args = (w1m, conv1_b[:, None], rw1_w[:, :, 0, 0], rw1_b[:, None],
            w2m, conv2_b[:, None], rw2_w[:, :, 0, 0], rw2_b[:, None], codebook)
    cb_pad = jnp.pad(codebook, ((0, 0), (0, 32)))

    halves = []
    for h in range(NSPLIT):
        bvq_h, idx_h = _encode_half(x[h * Bh:(h + 1) * Bh], *args)
        quant_h = _sc_gather(cb_pad, idx_h.reshape(Bh * N2))[:, :96]
        lat_h = jnp.transpose(quant_h.reshape(Bh, N2, 96), (0, 2, 1))
        halves.append((lat_h, idx_h, bvq_h))

    latent = jnp.concatenate([h[0] for h in halves]).reshape(B, 96, 32, 256)
    indices = jnp.concatenate([h[1] for h in halves])
    beforvq = jnp.concatenate([h[2] for h in halves]).reshape(B, 96, 32, 256)
    return (latent, indices, beforvq)

# --- scband reference (transcript-rebuilt; emitter-appended) ---
"""Pipeline reference for scband-content-encoder-28930899706428 (READ-ONLY COPY).

The authoritative reference and input builder live on the scoring server;
editing this copy changes nothing except your own understanding.
"""

import jax, jax.numpy as jnp
import numpy as np


def _henc(x, conv_w, conv_b, rw_w, rw_b):
    # Demucs-style HEncLayer: strided conv over frequency axis + GELU + 1x1 rewrite conv + GLU
    dn = ('NCHW', 'OIHW', 'NCHW')
    y = jax.lax.conv_general_dilated(x, conv_w, window_strides=(4, 1), padding=[(2, 2), (0, 0)], dimension_numbers=dn)
    y = y + conv_b[None, :, None, None]
    y = jax.nn.gelu(y)
    z = jax.lax.conv_general_dilated(y, rw_w, window_strides=(1, 1), padding=[(0, 0), (0, 0)], dimension_numbers=dn)
    z = z + rw_b[None, :, None, None]
    a, b = jnp.split(z, 2, axis=1)
    return a * jax.nn.sigmoid(b)


def setup_inputs(seed: int = 0) -> dict:
    key = jax.random.key(seed)
    ks = [jax.random.fold_in(key, i) for i in range(16)]
    x = jax.random.normal(ks[0], (8, 2, 512, 256), dtype=jnp.float32)
    conv1_w = jax.random.normal(ks[1], (48, 2, 8, 1), dtype=jnp.float32) * 0.1
    conv1_b = jnp.zeros((48,), dtype=jnp.float32)
    rw1_w = jax.random.normal(ks[2], (96, 48, 1, 1), dtype=jnp.float32) * 0.1
    rw1_b = jnp.zeros((96,), dtype=jnp.float32)
    conv2_w = jax.random.normal(ks[3], (96, 48, 8, 1), dtype=jnp.float32) * 0.05
    conv2_b = jnp.zeros((96,), dtype=jnp.float32)
    rw2_w = jax.random.normal(ks[4], (192, 96, 1, 1), dtype=jnp.float32) * 0.05
    rw2_b = jnp.zeros((192,), dtype=jnp.float32)
    codebook = jax.random.normal(ks[5], (1024, 96), dtype=jnp.float32)
    return {
        'x': x,
        'conv1_w': conv1_w, 'conv1_b': conv1_b, 'rw1_w': rw1_w, 'rw1_b': rw1_b,
        'conv2_w': conv2_w, 'conv2_b': conv2_b, 'rw2_w': rw2_w, 'rw2_b': rw2_b,
        'codebook': codebook,
    }


def reference(x, conv1_w, conv1_b, rw1_w, rw1_b, conv2_w, conv2_b, rw2_w, rw2_b, codebook):
    y = _henc(x, conv1_w, conv1_b, rw1_w, rw1_b)
    y = _henc(y, conv2_w, conv2_b, rw2_w, rw2_b)
    B, C, Fr, T = y.shape
    beforvq = y
    flat = jnp.transpose(y.reshape(B, C, Fr * T), (0, 2, 1))  # [B, N, C]
    # VQ: squared-L2 nearest codebook entry
    dist = (jnp.sum(flat * flat, axis=-1, keepdims=True)
            - 2.0 * jnp.einsum('bnc,kc->bnk', flat, codebook)
            + jnp.sum(codebook * codebook, axis=-1)[None, None, :])
    indices = jnp.argmin(dist, axis=-1)  # [B, N]
    quant = jnp.take(codebook, indices, axis=0)  # [B, N, C]
    # straight-through estimator
    latent = flat + jax.lax.stop_gradient(quant - flat)
    latent = jnp.transpose(latent, (0, 2, 1)).reshape(B, C, Fr, T)
    return (latent, indices, beforvq)

if __name__ == "__main__":
    import jax
    _d = setup_inputs()
    print(jax.jit(kernel)(*tuple(_d.values())))

</pallas_src>

<mosaic_0001>
#map = affine_map<(d0, d1) -> (0, 0)>
#map1 = affine_map<(d0, d1) -> (0)>
module attributes {stable_mosaic.version = 14 : i64} {
  func.func @k(%arg0: i32, %arg1: i32, %arg2: memref<1024x128xf32, #tpu.memory_space<hbm>>, %arg3: memref<16384xi32, #tpu.memory_space<hbm>>, %arg4: memref<16384x128xf32, #tpu.memory_space<hbm>>, %arg5: memref<512xi32, #tpu.memory_space<vmem>>, %arg6: memref<512x128xf32, #tpu.memory_space<vmem>>, %arg7: memref<1024x128xf32, #tpu.memory_space<vmem_shared>>, %arg8: memref<!tpu.dma_semaphore, #tpu.memory_space<semaphore_mem>>) attributes {dimension_semantics = [#tpu.dimension_semantics<core_parallel>, #tpu.dimension_semantics<subcore_parallel>], iteration_bounds = array<i64: 2, 16>, scalar_prefetch = 0 : i64, scratch_operands = 4 : i64, tpu.core_type = #tpu.core_type<sc_vector_subcore>, window_params = [{transform_indices = #map}, {transform_indices = #map1}, {transform_indices = #map}]} {
    %eq3A = arith.constant 0 : i32
    %eq3A_0 = arith.cmpi eq, %arg1, %eq3A : i32
    %convert_element_type3A = arith.extui %eq3A_0 : i1 to i32
    %cond3A = arith.constant 0 : i32
    %cond3A_1 = arith.cmpi ne, %convert_element_type3A, %cond3A : i32
    scf.if %cond3A_1 {
      "tpu.region"() ({
        %run_scoped3A = tpu.sem_alloc : memref<!tpu.dma_semaphore, #tpu.memory_space<semaphore_mem>>
        tpu.enqueue_dma source(%arg2 : memref<1024x128xf32, #tpu.memory_space<hbm>>) target(%arg7 : memref<1024x128xf32, #tpu.memory_space<vmem_shared>>) target_semaphore(%run_scoped3A : memref<!tpu.dma_semaphore, #tpu.memory_space<semaphore_mem>>)
        tpu.wait_dma2 semaphore(%run_scoped3A : memref<!tpu.dma_semaphore, #tpu.memory_space<semaphore_mem>>) src(%arg2 : memref<1024x128xf32, #tpu.memory_space<hbm>>) dst(%arg7 : memref<1024x128xf32, #tpu.memory_space<vmem_shared>>)
        tpu.yield
      }) : () -> ()
    } else {
    }
    %barrier3A = arith.constant 0 : index
    tpu.barrier barrier_id(%barrier3A)
    %mul3A = arith.constant 2 : i32
    %mul3A_2 = arith.muli %arg1, %mul3A : i32
    %add3A = arith.addi %mul3A_2, %arg0 : i32
    %mul3A_3 = arith.constant 512 : i32
    %mul3A_4 = arith.muli %add3A, %mul3A_3 : i32
    %add3A_5 = arith.constant 0 : i32
    %add3A_6 = arith.addi %mul3A_4, %add3A_5 : i32
    "tpu.region"() ({
      %run_scoped3A = tpu.sem_alloc : memref<!tpu.dma_semaphore, #tpu.memory_space<semaphore_mem>>
      %dma_start3A_11 = tpu.memref_slice %arg3[%add3A_6] : memref<16384xi32, #tpu.memory_space<hbm>> -> memref<512xi32, #tpu.memory_space<hbm>>
      %dma_start3A_12 = tpu.memref_slice %arg3[%add3A_6] : memref<16384xi32, #tpu.memory_space<hbm>> -> memref<512xi32, #tpu.memory_space<hbm>>
      tpu.enqueue_dma source(%dma_start3A_12 : memref<512xi32, #tpu.memory_space<hbm>>) target(%arg5 : memref<512xi32, #tpu.memory_space<vmem>>) target_semaphore(%run_scoped3A : memref<!tpu.dma_semaphore, #tpu.memory_space<semaphore_mem>>)
      %dma_wait3A_13 = tpu.memref_slice %arg3[%add3A_6] : memref<16384xi32, #tpu.memory_space<hbm>> -> memref<512xi32, #tpu.memory_space<hbm>>
      %dma_wait3A_14 = tpu.memref_slice %arg3[%add3A_6] : memref<16384xi32, #tpu.memory_space<hbm>> -> memref<512xi32, #tpu.memory_space<hbm>>
      tpu.wait_dma2 semaphore(%run_scoped3A : memref<!tpu.dma_semaphore, #tpu.memory_space<semaphore_mem>>) src(%dma_wait3A_14 : memref<512xi32, #tpu.memory_space<hbm>>) dst(%arg5 : memref<512xi32, #tpu.memory_space<vmem>>)
      tpu.yield
    }) : () -> ()
    %dma_start3A = arith.constant 0 : i32
    %dma_start3A_7 = arith.constant 0 : i32
    %dma_start3A_8 = tpu.memref_slice %arg7[%dma_start3A, %dma_start3A_7] : memref<1024x128xf32, #tpu.memory_space<vmem_shared>> -> memref<1024x128xf32, #tpu.memory_space<vmem_shared>>
    tpu.enqueue_indirect_dma source(%dma_start3A_8 : memref<1024x128xf32, #tpu.memory_space<vmem_shared>>) target(%arg6 : memref<512x128xf32, #tpu.memory_space<vmem>>) offsets(%arg5 : memref<512xi32, #tpu.memory_space<vmem>>) semaphore(%arg8 : memref<!tpu.dma_semaphore, #tpu.memory_space<semaphore_mem>>)
    %dma_wait3A = arith.constant 0 : i32
    %dma_wait3A_9 = arith.constant 0 : i32
    %dma_wait3A_10 = tpu.memref_slice %arg7[%dma_wait3A, %dma_wait3A_9] : memref<1024x128xf32, #tpu.memory_space<vmem_shared>> -> memref<1024x128xf32, #tpu.memory_space<vmem_shared>>
    tpu.wait_indirect_dma semaphore(%arg8 : memref<!tpu.dma_semaphore, #tpu.memory_space<semaphore_mem>>) src(%dma_wait3A_10 : memref<1024x128xf32, #tpu.memory_space<vmem_shared>>) dst(%arg6 : memref<512x128xf32, #tpu.memory_space<vmem>>)
    "tpu.region"() ({
      %run_scoped3A = tpu.sem_alloc : memref<!tpu.dma_semaphore, #tpu.memory_space<semaphore_mem>>
      %dma_start3A_11 = arith.constant 0 : i32
      %dma_start3A_12 = tpu.memref_slice %arg4[%add3A_6, %dma_start3A_11] : memref<16384x128xf32, #tpu.memory_space<hbm>> -> memref<512x128xf32, #tpu.memory_space<hbm>>
      %dma_start3A_13 = arith.constant 0 : i32
      %dma_start3A_14 = tpu.memref_slice %arg4[%add3A_6, %dma_start3A_13] : memref<16384x128xf32, #tpu.memory_space<hbm>> -> memref<512x128xf32, #tpu.memory_space<hbm>>
      tpu.enqueue_dma source(%arg6 : memref<512x128xf32, #tpu.memory_space<vmem>>) target(%dma_start3A_14 : memref<512x128xf32, #tpu.memory_space<hbm>>) target_semaphore(%run_scoped3A : memref<!tpu.dma_semaphore, #tpu.memory_space<semaphore_mem>>)
      %dma_wait3A_15 = arith.constant 0 : i32
      %dma_wait3A_16 = tpu.memref_slice %arg4[%add3A_6, %dma_wait3A_15] : memref<16384x128xf32, #tpu.memory_space<hbm>> -> memref<512x128xf32, #tpu.memory_space<hbm>>
      %dma_wait3A_17 = arith.constant 0 : i32
      %dma_wait3A_18 = tpu.memref_slice %arg4[%add3A_6, %dma_wait3A_17] : memref<16384x128xf32, #tpu.memory_space<hbm>> -> memref<512x128xf32, #tpu.memory_space<hbm>>
      tpu.wait_dma2 semaphore(%run_scoped3A : memref<!tpu.dma_semaphore, #tpu.memory_space<semaphore_mem>>) src(%arg6 : memref<512x128xf32, #tpu.memory_space<vmem>>) dst(%dma_wait3A_18 : memref<512x128xf32, #tpu.memory_space<hbm>>)
      tpu.yield
    }) : () -> ()
    return
  }
}

#map = affine_map<(d0, d1) -> (0, 0)>
#map1 = affine_map<(d0, d1) -> (0)>
module attributes {stable_mosaic.version = 14 : i64} {
  func.func @k(%arg0: i32, %arg1: i32, %arg2: memref<1024x128xf32, #tpu.memory_space<hbm>>, %arg3: memref<16384xi32, #tpu.memory_space<hbm>>, %arg4: memref<16384x128xf32, #tpu.memory_space<hbm>>, %arg5: memref<512xi32, #tpu.memory_space<vmem>>, %arg6: memref<512x128xf32, #tpu.memory_space<vmem>>, %arg7: memref<1024x128xf32, #tpu.memory_space<vmem_shared>>, %arg8: memref<!tpu.dma_semaphore, #tpu.memory_space<semaphore_mem>>) attributes {dimension_semantics = [#tpu.dimension_semantics<core_parallel>, #tpu.dimension_semantics<subcore_parallel>], iteration_bounds = array<i64: 2, 16>, scalar_prefetch = 0 : i64, scratch_operands = 4 : i64, tpu.core_type = #tpu.core_type<sc_vector_subcore>, window_params = [{transform_indices = #map}, {transform_indices = #map1}, {transform_indices = #map}]} {
    %eq3A = arith.constant 0 : i32
    %eq3A_0 = arith.cmpi eq, %arg1, %eq3A : i32
    %convert_element_type3A = arith.extui %eq3A_0 : i1 to i32
    %cond3A = arith.constant 0 : i32
    %cond3A_1 = arith.cmpi ne, %convert_element_type3A, %cond3A : i32
    scf.if %cond3A_1 {
      "tpu.region"() ({
        %run_scoped3A = tpu.sem_alloc : memref<!tpu.dma_semaphore, #tpu.memory_space<semaphore_mem>>
        tpu.enqueue_dma source(%arg2 : memref<1024x128xf32, #tpu.memory_space<hbm>>) target(%arg7 : memref<1024x128xf32, #tpu.memory_space<vmem_shared>>) target_semaphore(%run_scoped3A : memref<!tpu.dma_semaphore, #tpu.memory_space<semaphore_mem>>)
        tpu.wait_dma2 semaphore(%run_scoped3A : memref<!tpu.dma_semaphore, #tpu.memory_space<semaphore_mem>>) src(%arg2 : memref<1024x128xf32, #tpu.memory_space<hbm>>) dst(%arg7 : memref<1024x128xf32, #tpu.memory_space<vmem_shared>>)
        tpu.yield
      }) : () -> ()
    } else {
    }
    %barrier3A = arith.constant 0 : index
    tpu.barrier barrier_id(%barrier3A)
    %mul3A = arith.constant 2 : i32
    %mul3A_2 = arith.muli %arg1, %mul3A : i32
    %add3A = arith.addi %mul3A_2, %arg0 : i32
    %mul3A_3 = arith.constant 512 : i32
    %mul3A_4 = arith.muli %add3A, %mul3A_3 : i32
    %add3A_5 = arith.constant 0 : i32
    %add3A_6 = arith.addi %mul3A_4, %add3A_5 : i32
    "tpu.region"() ({
      %run_scoped3A = tpu.sem_alloc : memref<!tpu.dma_semaphore, #tpu.memory_space<semaphore_mem>>
      %dma_start3A_11 = tpu.memref_slice %arg3[%add3A_6] : memref<16384xi32, #tpu.memory_space<hbm>> -> memref<512xi32, #tpu.memory_space<hbm>>
      %dma_start3A_12 = tpu.memref_slice %arg3[%add3A_6] : memref<16384xi32, #tpu.memory_space<hbm>> -> memref<512xi32, #tpu.memory_space<hbm>>
      tpu.enqueue_dma source(%dma_start3A_12 : memref<512xi32, #tpu.memory_space<hbm>>) target(%arg5 : memref<512xi32, #tpu.memory_space<vmem>>) target_semaphore(%run_scoped3A : memref<!tpu.dma_semaphore, #tpu.memory_space<semaphore_mem>>)
      %dma_wait3A_13 = tpu.memref_slice %arg3[%add3A_6] : memref<16384xi32, #tpu.memory_space<hbm>> -> memref<512xi32, #tpu.memory_space<hbm>>
      %dma_wait3A_14 = tpu.memref_slice %arg3[%add3A_6] : memref<16384xi32, #tpu.memory_space<hbm>> -> memref<512xi32, #tpu.memory_space<hbm>>
      tpu.wait_dma2 semaphore(%run_scoped3A : memref<!tpu.dma_semaphore, #tpu.memory_space<semaphore_mem>>) src(%dma_wait3A_14 : memref<512xi32, #tpu.memory_space<hbm>>) dst(%arg5 : memref<512xi32, #tpu.memory_space<vmem>>)
      tpu.yield
    }) : () -> ()
    %dma_start3A = arith.constant 0 : i32
    %dma_start3A_7 = arith.constant 0 : i32
    %dma_start3A_8 = tpu.memref_slice %arg7[%dma_start3A, %dma_start3A_7] : memref<1024x128xf32, #tpu.memory_space<vmem_shared>> -> memref<1024x128xf32, #tpu.memory_space<vmem_shared>>
    tpu.enqueue_indirect_dma source(%dma_start3A_8 : memref<1024x128xf32, #tpu.memory_space<vmem_shared>>) target(%arg6 : memref<512x128xf32, #tpu.memory_space<vmem>>) offsets(%arg5 : memref<512xi32, #tpu.memory_space<vmem>>) semaphore(%arg8 : memref<!tpu.dma_semaphore, #tpu.memory_space<semaphore_mem>>)
    %dma_wait3A = arith.constant 0 : i32
    %dma_wait3A_9 = arith.constant 0 : i32
    %dma_wait3A_10 = tpu.memref_slice %arg7[%dma_wait3A, %dma_wait3A_9] : memref<1024x128xf32, #tpu.memory_space<vmem_shared>> -> memref<1024x128xf32, #tpu.memory_space<vmem_shared>>
    tpu.wait_indirect_dma semaphore(%arg8 : memref<!tpu.dma_semaphore, #tpu.memory_space<semaphore_mem>>) src(%dma_wait3A_10 : memref<1024x128xf32, #tpu.memory_space<vmem_shared>>) dst(%arg6 : memref<512x128xf32, #tpu.memory_space<vmem>>)
    "tpu.region"() ({
      %run_scoped3A = tpu.sem_alloc : memref<!tpu.dma_semaphore, #tpu.memory_space<semaphore_mem>>
      %dma_start3A_11 = arith.constant 0 : i32
      %dma_start3A_12 = tpu.memref_slice %arg4[%add3A_6, %dma_start3A_11] : memref<16384x128xf32, #tpu.memory_space<hbm>> -> memref<512x128xf32, #tpu.memory_space<hbm>>
      %dma_start3A_13 = arith.constant 0 : i32
      %dma_start3A_14 = tpu.memref_slice %arg4[%add3A_6, %dma_start3A_13] : memref<16384x128xf32, #tpu.memory_space<hbm>> -> memref<512x128xf32, #tpu.memory_space<hbm>>
      tpu.enqueue_dma source(%arg6 : memref<512x128xf32, #tpu.memory_space<vmem>>) target(%dma_start3A_14 : memref<512x128xf32, #tpu.memory_space<hbm>>) target_semaphore(%run_scoped3A : memref<!tpu.dma_semaphore, #tpu.memory_space<semaphore_mem>>)
      %dma_wait3A_15 = arith.constant 0 : i32
      %dma_wait3A_16 = tpu.memref_slice %arg4[%add3A_6, %dma_wait3A_15] : memref<16384x128xf32, #tpu.memory_space<hbm>> -> memref<512x128xf32, #tpu.memory_space<hbm>>
      %dma_wait3A_17 = arith.constant 0 : i32
      %dma_wait3A_18 = tpu.memref_slice %arg4[%add3A_6, %dma_wait3A_17] : memref<16384x128xf32, #tpu.memory_space<hbm>> -> memref<512x128xf32, #tpu.memory_space<hbm>>
      tpu.wait_dma2 semaphore(%run_scoped3A : memref<!tpu.dma_semaphore, #tpu.memory_space<semaphore_mem>>) src(%arg6 : memref<512x128xf32, #tpu.memory_space<vmem>>) dst(%dma_wait3A_18 : memref<512x128xf32, #tpu.memory_space<hbm>>)
      tpu.yield
    }) : () -> ()
    return
  }
}

#map = affine_map<(d0, d1) -> (0, 0)>
#map1 = affine_map<(d0, d1) -> (0)>
module attributes {stable_mosaic.version = 14 : i64} {
  func.func @k(%arg0: i32, %arg1: i32, %arg2: memref<1024x128xf32, #tpu.memory_space<hbm>>, %arg3: memref<16384xi32, #tpu.memory_space<hbm>>, %arg4: memref<16384x128xf32, #tpu.memory_space<hbm>>, %arg5: memref<512xi32, #tpu.memory_space<vmem>>, %arg6: memref<512x128xf32, #tpu.memory_space<vmem>>, %arg7: memref<1024x128xf32, #tpu.memory_space<vmem_shared>>, %arg8: memref<!tpu.dma_semaphore, #tpu.memory_space<semaphore_mem>>) attributes {dimension_semantics = [#tpu.dimension_semantics<core_parallel>, #tpu.dimension_semantics<subcore_parallel>], iteration_bounds = array<i64: 2, 16>, scalar_prefetch = 0 : i64, scratch_operands = 4 : i64, tpu.core_type = #tpu.core_type<sc_vector_subcore>, window_params = [{transform_indices = #map}, {transform_indices = #map1}, {transform_indices = #map}]} {
    %eq3A = arith.constant 0 : i32
    %eq3A_0 = arith.cmpi eq, %arg1, %eq3A : i32
    %convert_element_type3A = arith.extui %eq3A_0 : i1 to i32
    %cond3A = arith.constant 0 : i32
    %cond3A_1 = arith.cmpi ne, %convert_element_type3A, %cond3A : i32
    scf.if %cond3A_1 {
      "tpu.region"() ({
        %run_scoped3A = tpu.sem_alloc : memref<!tpu.dma_semaphore, #tpu.memory_space<semaphore_mem>>
        tpu.enqueue_dma source(%arg2 : memref<1024x128xf32, #tpu.memory_space<hbm>>) target(%arg7 : memref<1024x128xf32, #tpu.memory_space<vmem_shared>>) target_semaphore(%run_scoped3A : memref<!tpu.dma_semaphore, #tpu.memory_space<semaphore_mem>>)
        tpu.wait_dma2 semaphore(%run_scoped3A : memref<!tpu.dma_semaphore, #tpu.memory_space<semaphore_mem>>) src(%arg2 : memref<1024x128xf32, #tpu.memory_space<hbm>>) dst(%arg7 : memref<1024x128xf32, #tpu.memory_space<vmem_shared>>)
        tpu.yield
      }) : () -> ()
    } else {
    }
    %barrier3A = arith.constant 0 : index
    tpu.barrier barrier_id(%barrier3A)
    %mul3A = arith.constant 2 : i32
    %mul3A_2 = arith.muli %arg1, %mul3A : i32
    %add3A = arith.addi %mul3A_2, %arg0 : i32
    %mul3A_3 = arith.constant 512 : i32
    %mul3A_4 = arith.muli %add3A, %mul3A_3 : i32
    %add3A_5 = arith.constant 0 : i32
    %add3A_6 = arith.addi %mul3A_4, %add3A_5 : i32
    "tpu.region"() ({
      %run_scoped3A = tpu.sem_alloc : memref<!tpu.dma_semaphore, #tpu.memory_space<semaphore_mem>>
      %dma_start3A_11 = tpu.memref_slice %arg3[%add3A_6] : memref<16384xi32, #tpu.memory_space<hbm>> -> memref<512xi32, #tpu.memory_space<hbm>>
      %dma_start3A_12 = tpu.memref_slice %arg3[%add3A_6] : memref<16384xi32, #tpu.memory_space<hbm>> -> memref<512xi32, #tpu.memory_space<hbm>>
      tpu.enqueue_dma source(%dma_start3A_12 : memref<512xi32, #tpu.memory_space<hbm>>) target(%arg5 : memref<512xi32, #tpu.memory_space<vmem>>) target_semaphore(%run_scoped3A : memref<!tpu.dma_semaphore, #tpu.memory_space<semaphore_mem>>)
      %dma_wait3A_13 = tpu.memref_slice %arg3[%add3A_6] : memref<16384xi32, #tpu.memory_space<hbm>> -> memref<512xi32, #tpu.memory_space<hbm>>
      %dma_wait3A_14 = tpu.memref_slice %arg3[%add3A_6] : memref<16384xi32, #tpu.memory_space<hbm>> -> memref<512xi32, #tpu.memory_space<hbm>>
      tpu.wait_dma2 semaphore(%run_scoped3A : memref<!tpu.dma_semaphore, #tpu.memory_space<semaphore_mem>>) src(%dma_wait3A_14 : memref<512xi32, #tpu.memory_space<hbm>>) dst(%arg5 : memref<512xi32, #tpu.memory_space<vmem>>)
      tpu.yield
    }) : () -> ()
    %dma_start3A = arith.constant 0 : i32
    %dma_start3A_7 = arith.constant 0 : i32
    %dma_start3A_8 = tpu.memref_slice %arg7[%dma_start3A, %dma_start3A_7] : memref<1024x128xf32, #tpu.memory_space<vmem_shared>> -> memref<1024x128xf32, #tpu.memory_space<vmem_shared>>
    tpu.enqueue_indirect_dma source(%dma_start3A_8 : memref<1024x128xf32, #tpu.memory_space<vmem_shared>>) target(%arg6 : memref<512x128xf32, #tpu.memory_space<vmem>>) offsets(%arg5 : memref<512xi32, #tpu.memory_space<vmem>>) semaphore(%arg8 : memref<!tpu.dma_semaphore, #tpu.memory_space<semaphore_mem>>)
    %dma_wait3A = arith.constant 0 : i32
    %dma_wait3A_9 = arith.constant 0 : i32
    %dma_wait3A_10 = tpu.memref_slice %arg7[%dma_wait3A, %dma_wait3A_9] : memref<1024x128xf32, #tpu.memory_space<vmem_shared>> -> memref<1024x128xf32, #tpu.memory_space<vmem_shared>>
    tpu.wait_indirect_dma semaphore(%arg8 : memref<!tpu.dma_semaphore, #tpu.memory_space<semaphore_mem>>) src(%dma_wait3A_10 : memref<1024x128xf32, #tpu.memory_space<vmem_shared>>) dst(%arg6 : memref<512x128xf32, #tpu.memory_space<vmem>>)
    "tpu.region"() ({
      %run_scoped3A = tpu.sem_alloc : memref<!tpu.dma_semaphore, #tpu.memory_space<semaphore_mem>>
      %dma_start3A_11 = arith.constant 0 : i32
      %dma_start3A_12 = tpu.memref_slice %arg4[%add3A_6, %dma_start3A_11] : memref<16384x128xf32, #tpu.memory_space<hbm>> -> memref<512x128xf32, #tpu.memory_space<hbm>>
      %dma_start3A_13 = arith.constant 0 : i32
      %dma_start3A_14 = tpu.memref_slice %arg4[%add3A_6, %dma_start3A_13] : memref<16384x128xf32, #tpu.memory_space<hbm>> -> memref<512x128xf32, #tpu.memory_space<hbm>>
      tpu.enqueue_dma source(%arg6 : memref<512x128xf32, #tpu.memory_space<vmem>>) target(%dma_start3A_14 : memref<512x128xf32, #tpu.memory_space<hbm>>) target_semaphore(%run_scoped3A : memref<!tpu.dma_semaphore, #tpu.memory_space<semaphore_mem>>)
      %dma_wait3A_15 = arith.constant 0 : i32
      %dma_wait3A_16 = tpu.memref_slice %arg4[%add3A_6, %dma_wait3A_15] : memref<16384x128xf32, #tpu.memory_space<hbm>> -> memref<512x128xf32, #tpu.memory_space<hbm>>
      %dma_wait3A_17 = arith.constant 0 : i32
      %dma_wait3A_18 = tpu.memref_slice %arg4[%add3A_6, %dma_wait3A_17] : memref<16384x128xf32, #tpu.memory_space<hbm>> -> memref<512x128xf32, #tpu.memory_space<hbm>>
      tpu.wait_dma2 semaphore(%run_scoped3A : memref<!tpu.dma_semaphore, #tpu.memory_space<semaphore_mem>>) src(%arg6 : memref<512x128xf32, #tpu.memory_space<vmem>>) dst(%dma_wait3A_18 : memref<512x128xf32, #tpu.memory_space<hbm>>)
      tpu.yield
    }) : () -> ()
    return
  }
}

#map = affine_map<(d0, d1) -> (0, 0)>
#map1 = affine_map<(d0, d1) -> (0)>
module attributes {stable_mosaic.version = 14 : i64} {
  func.func @k(%arg0: i32, %arg1: i32, %arg2: memref<1024x128xf32, #tpu.memory_space<hbm>>, %arg3: memref<16384xi32, #tpu.memory_space<hbm>>, %arg4: memref<16384x128xf32, #tpu.memory_space<hbm>>, %arg5: memref<512xi32, #tpu.memory_space<vmem>>, %arg6: memref<512x128xf32, #tpu.memory_space<vmem>>, %arg7: memref<1024x128xf32, #tpu.memory_space<vmem_shared>>, %arg8: memref<!tpu.dma_semaphore, #tpu.memory_space<semaphore_mem>>) attributes {dimension_semantics = [#tpu.dimension_semantics<core_parallel>, #tpu.dimension_semantics<subcore_parallel>], iteration_bounds = array<i64: 2, 16>, scalar_prefetch = 0 : i64, scratch_operands = 4 : i64, tpu.core_type = #tpu.core_type<sc_vector_subcore>, window_params = [{transform_indices = #map}, {transform_indices = #map1}, {transform_indices = #map}]} {
    %eq3A = arith.constant 0 : i32
    %eq3A_0 = arith.cmpi eq, %arg1, %eq3A : i32
    %convert_element_type3A = arith.extui %eq3A_0 : i1 to i32
    %cond3A = arith.constant 0 : i32
    %cond3A_1 = arith.cmpi ne, %convert_element_type3A, %cond3A : i32
    scf.if %cond3A_1 {
      "tpu.region"() ({
        %run_scoped3A = tpu.sem_alloc : memref<!tpu.dma_semaphore, #tpu.memory_space<semaphore_mem>>
        tpu.enqueue_dma source(%arg2 : memref<1024x128xf32, #tpu.memory_space<hbm>>) target(%arg7 : memref<1024x128xf32, #tpu.memory_space<vmem_shared>>) target_semaphore(%run_scoped3A : memref<!tpu.dma_semaphore, #tpu.memory_space<semaphore_mem>>)
        tpu.wait_dma2 semaphore(%run_scoped3A : memref<!tpu.dma_semaphore, #tpu.memory_space<semaphore_mem>>) src(%arg2 : memref<1024x128xf32, #tpu.memory_space<hbm>>) dst(%arg7 : memref<1024x128xf32, #tpu.memory_space<vmem_shared>>)
        tpu.yield
      }) : () -> ()
    } else {
    }
    %barrier3A = arith.constant 0 : index
    tpu.barrier barrier_id(%barrier3A)
    %mul3A = arith.constant 2 : i32
    %mul3A_2 = arith.muli %arg1, %mul3A : i32
    %add3A = arith.addi %mul3A_2, %arg0 : i32
    %mul3A_3 = arith.constant 512 : i32
    %mul3A_4 = arith.muli %add3A, %mul3A_3 : i32
    %add3A_5 = arith.constant 0 : i32
    %add3A_6 = arith.addi %mul3A_4, %add3A_5 : i32
    "tpu.region"() ({
      %run_scoped3A = tpu.sem_alloc : memref<!tpu.dma_semaphore, #tpu.memory_space<semaphore_mem>>
      %dma_start3A_11 = tpu.memref_slice %arg3[%add3A_6] : memref<16384xi32, #tpu.memory_space<hbm>> -> memref<512xi32, #tpu.memory_space<hbm>>
      %dma_start3A_12 = tpu.memref_slice %arg3[%add3A_6] : memref<16384xi32, #tpu.memory_space<hbm>> -> memref<512xi32, #tpu.memory_space<hbm>>
      tpu.enqueue_dma source(%dma_start3A_12 : memref<512xi32, #tpu.memory_space<hbm>>) target(%arg5 : memref<512xi32, #tpu.memory_space<vmem>>) target_semaphore(%run_scoped3A : memref<!tpu.dma_semaphore, #tpu.memory_space<semaphore_mem>>)
      %dma_wait3A_13 = tpu.memref_slice %arg3[%add3A_6] : memref<16384xi32, #tpu.memory_space<hbm>> -> memref<512xi32, #tpu.memory_space<hbm>>
      %dma_wait3A_14 = tpu.memref_slice %arg3[%add3A_6] : memref<16384xi32, #tpu.memory_space<hbm>> -> memref<512xi32, #tpu.memory_space<hbm>>
      tpu.wait_dma2 semaphore(%run_scoped3A : memref<!tpu.dma_semaphore, #tpu.memory_space<semaphore_mem>>) src(%dma_wait3A_14 : memref<512xi32, #tpu.memory_space<hbm>>) dst(%arg5 : memref<512xi32, #tpu.memory_space<vmem>>)
      tpu.yield
    }) : () -> ()
    %dma_start3A = arith.constant 0 : i32
    %dma_start3A_7 = arith.constant 0 : i32
    %dma_start3A_8 = tpu.memref_slice %arg7[%dma_start3A, %dma_start3A_7] : memref<1024x128xf32, #tpu.memory_space<vmem_shared>> -> memref<1024x128xf32, #tpu.memory_space<vmem_shared>>
    tpu.enqueue_indirect_dma source(%dma_start3A_8 : memref<1024x128xf32, #tpu.memory_space<vmem_shared>>) target(%arg6 : memref<512x128xf32, #tpu.memory_space<vmem>>) offsets(%arg5 : memref<512xi32, #tpu.memory_space<vmem>>) semaphore(%arg8 : memref<!tpu.dma_semaphore, #tpu.memory_space<semaphore_mem>>)
    %dma_wait3A = arith.constant 0 : i32
    %dma_wait3A_9 = arith.constant 0 : i32
    %dma_wait3A_10 = tpu.memref_slice %arg7[%dma_wait3A, %dma_wait3A_9] : memref<1024x128xf32, #tpu.memory_space<vmem_shared>> -> memref<1024x128xf32, #tpu.memory_space<vmem_shared>>
    tpu.wait_indirect_dma semaphore(%arg8 : memref<!tpu.dma_semaphore, #tpu.memory_space<semaphore_mem>>) src(%dma_wait3A_10 : memref<1024x128xf32, #tpu.memory_space<vmem_shared>>) dst(%arg6 : memref<512x128xf32, #tpu.memory_space<vmem>>)
    "tpu.region"() ({
      %run_scoped3A = tpu.sem_alloc : memref<!tpu.dma_semaphore, #tpu.memory_space<semaphore_mem>>
      %dma_start3A_11 = arith.constant 0 : i32
      %dma_start3A_12 = tpu.memref_slice %arg4[%add3A_6, %dma_start3A_11] : memref<16384x128xf32, #tpu.memory_space<hbm>> -> memref<512x128xf32, #tpu.memory_space<hbm>>
      %dma_start3A_13 = arith.constant 0 : i32
      %dma_start3A_14 = tpu.memref_slice %arg4[%add3A_6, %dma_start3A_13] : memref<16384x128xf32, #tpu.memory_space<hbm>> -> memref<512x128xf32, #tpu.memory_space<hbm>>
      tpu.enqueue_dma source(%arg6 : memref<512x128xf32, #tpu.memory_space<vmem>>) target(%dma_start3A_14 : memref<512x128xf32, #tpu.memory_space<hbm>>) target_semaphore(%run_scoped3A : memref<!tpu.dma_semaphore, #tpu.memory_space<semaphore_mem>>)
      %dma_wait3A_15 = arith.constant 0 : i32
      %dma_wait3A_16 = tpu.memref_slice %arg4[%add3A_6, %dma_wait3A_15] : memref<16384x128xf32, #tpu.memory_space<hbm>> -> memref<512x128xf32, #tpu.memory_space<hbm>>
      %dma_wait3A_17 = arith.constant 0 : i32
      %dma_wait3A_18 = tpu.memref_slice %arg4[%add3A_6, %dma_wait3A_17] : memref<16384x128xf32, #tpu.memory_space<hbm>> -> memref<512x128xf32, #tpu.memory_space<hbm>>
      tpu.wait_dma2 semaphore(%run_scoped3A : memref<!tpu.dma_semaphore, #tpu.memory_space<semaphore_mem>>) src(%arg6 : memref<512x128xf32, #tpu.memory_space<vmem>>) dst(%dma_wait3A_18 : memref<512x128xf32, #tpu.memory_space<hbm>>)
      tpu.yield
    }) : () -> ()
    return
  }
}

module attributes {stable_mosaic.version = 14 : i64} {
  func.func @_fused_kernel(%arg0: i32, %arg1: memref<1x16x32768xf32, #tpu.memory_space<vmem>>, %arg2: memref<48x16xf32, #tpu.memory_space<vmem>>, %arg3: memref<48x1xf32, #tpu.memory_space<vmem>>, %arg4: memref<96x48xf32, #tpu.memory_space<vmem>>, %arg5: memref<96x1xf32, #tpu.memory_space<vmem>>, %arg6: memref<96x384xf32, #tpu.memory_space<vmem>>, %arg7: memref<96x1xf32, #tpu.memory_space<vmem>>, %arg8: memref<192x96xf32, #tpu.memory_space<vmem>>, %arg9: memref<192x1xf32, #tpu.memory_space<vmem>>, %arg10: memref<1024x96xf32, #tpu.memory_space<vmem>>, %arg11: memref<1024x1xf32, #tpu.memory_space<vmem>>, %arg12: memref<1x96x8192xf32, #tpu.memory_space<vmem>>, %arg13: memref<1x1x8192xi32, #tpu.memory_space<vmem>>, %arg14: memref<48x33792xf32, #tpu.memory_space<vmem>>) attributes {dimension_semantics = [#tpu.dimension_semantics<arbitrary>], iteration_bounds = array<i64: 2>, scalar_prefetch = 0 : i64, scratch_operands = 1 : i64, tpu.core_type = #tpu.core_type<tc>, window_params = [{transform_indices = @transform_0, window_bounds = array<i64: 1, 16, 32768>}, {pipeline_mode = #tpu.pipeline_mode<synchronous>, transform_indices = @transform_1, window_bounds = array<i64: 48, 16>}, {pipeline_mode = #tpu.pipeline_mode<synchronous>, transform_indices = @transform_2, window_bounds = array<i64: 48, 1>}, {pipeline_mode = #tpu.pipeline_mode<synchronous>, transform_indices = @transform_3, window_bounds = array<i64: 96, 48>}, {pipeline_mode = #tpu.pipeline_mode<synchronous>, transform_indices = @transform_4, window_bounds = array<i64: 96, 1>}, {pipeline_mode = #tpu.pipeline_mode<synchronous>, transform_indices = @transform_5, window_bounds = array<i64: 96, 384>}, {pipeline_mode = #tpu.pipeline_mode<synchronous>, transform_indices = @transform_6, window_bounds = array<i64: 96, 1>}, {pipeline_mode = #tpu.pipeline_mode<synchronous>, transform_indices = @transform_7, window_bounds = array<i64: 192, 96>}, {pipeline_mode = #tpu.pipeline_mode<synchronous>, transform_indices = @transform_8, window_bounds = array<i64: 192, 1>}, {pipeline_mode = #tpu.pipeline_mode<synchronous>, transform_indices = @transform_9, window_bounds = array<i64: 1024, 96>}, {pipeline_mode = #tpu.pipeline_mode<synchronous>, transform_indices = @transform_10, window_bounds = array<i64: 1024, 1>}, {transform_indices = @transform_11, window_bounds = array<i64: 1, 96, 8192>}, {transform_indices = @transform_12, window_bounds = array<i64: 1, 1, 8192>}]} {
    %broadcast_in_dim3A = arith.constant 0.000000e+00 : f32
    %broadcast_in_dim3A_0 = vector.broadcast %broadcast_in_dim3A : f32 to vector<48x256xf32>
    %swap3A = arith.constant 0 : index
    %swap3A_1 = arith.constant 0 : index
    %swap3A_2 = vector.load %arg14[%swap3A, %swap3A_1] : memref<48x33792xf32, #tpu.memory_space<vmem>>, vector<48x256xf32>
    tpu.vector_store %arg14[%swap3A, %swap3A_1], %broadcast_in_dim3A_0 {strides = array<i32>} : memref<48x33792xf32, #tpu.memory_space<vmem>>, vector<48x256xf32>,
    %broadcast_in_dim3A_3 = arith.constant 0.000000e+00 : f32
    %broadcast_in_dim3A_4 = vector.broadcast %broadcast_in_dim3A_3 : f32 to vector<48x256xf32>
    %swap3A_5 = arith.constant 0 : index
    %swap3A_6 = arith.constant 8448 : index
    %swap3A_7 = vector.load %arg14[%swap3A_5, %swap3A_6] : memref<48x33792xf32, #tpu.memory_space<vmem>>, vector<48x256xf32>
    tpu.vector_store %arg14[%swap3A_5, %swap3A_6], %broadcast_in_dim3A_4 {strides = array<i32>} : memref<48x33792xf32, #tpu.memory_space<vmem>>, vector<48x256xf32>,
    %broadcast_in_dim3A_8 = arith.constant 0.000000e+00 : f32
    %broadcast_in_dim3A_9 = vector.broadcast %broadcast_in_dim3A_8 : f32 to vector<48x256xf32>
    %swap3A_10 = arith.constant 0 : index
    %swap3A_11 = arith.constant 25088 : index
    %swap3A_12 = vector.load %arg14[%swap3A_10, %swap3A_11] : memref<48x33792xf32, #tpu.memory_space<vmem>>, vector<48x256xf32>
    tpu.vector_store %arg14[%swap3A_10, %swap3A_11], %broadcast_in_dim3A_9 {strides = array<i32>} : memref<48x33792xf32, #tpu.memory_space<vmem>>, vector<48x256xf32>,
    %broadcast_in_dim3A_13 = arith.constant 0.000000e+00 : f32
    %broadcast_in_dim3A_14 = vector.broadcast %broadcast_in_dim3A_13 : f32 to vector<48x256xf32>
    %swap3A_15 = arith.constant 0 : index
    %swap3A_16 = arith.constant 33536 : index
    %swap3A_17 = vector.load %arg14[%swap3A_15, %swap3A_16] : memref<48x33792xf32, #tpu.memory_space<vmem>>, vector<48x256xf32>
    tpu.vector_store %arg14[%swap3A_15, %swap3A_16], %broadcast_in_dim3A_14 {strides = array<i32>} : memref<48x33792xf32, #tpu.memory_space<vmem>>, vector<48x256xf32>,
    %get3A = arith.constant 0 : index
    %get3A_18 = arith.constant 0 : index
    %get3A_19 = arith.constant 0 : index
    %get3A_20 = vector.load %arg1[%get3A, %get3A_18, %get3A_19] : memref<1x16x32768xf32, #tpu.memory_space<vmem>>, vector<1x16x32768xf32>
    %get3A_21 = vector.shape_cast %get3A_20 : vector<1x16x32768xf32> to vector<16x32768xf32>
    %get3A_22 = arith.constant 0 : index
    %get3A_23 = arith.constant 0 : index
    %get3A_24 = vector.load %arg2[%get3A_22, %get3A_23] : memref<48x16xf32, #tpu.memory_space<vmem>>, vector<48x16xf32>
    %dot_general3A = arith.constant dense<0.000000e+00> : vector<48x32768xf32>
    %dot_general3A_25 = tpu.matmul %get3A_24, %get3A_21, %dot_general3A {dimension_numbers = #tpu.dot_dimension_numbers<[1], [0], [0], [1], [0, 0, 1, 1], [], []>, transpose_lhs_hint = false} : vector<48x16xf32>, vector<16x32768xf32>, vector<48x32768xf32> -> vector<48x32768xf32>
    %get3A_26 = arith.constant 0 : index
    %get3A_27 = arith.constant 0 : index
    %get3A_28 = vector.load %arg3[%get3A_26, %get3A_27] : memref<48x1xf32, #tpu.memory_space<vmem>>, vector<48x1xf32>
    %add3A = vector.broadcast %get3A_28 : vector<48x1xf32> to vector<48x32768xf32>
    %add3A_29 = arith.addf %dot_general3A_25, %add3A : vector<48x32768xf32>
    %integer_pow3A = arith.mulf %add3A_29, %add3A_29 : vector<48x32768xf32>
    %integer_pow3A_30 = arith.mulf %add3A_29, %integer_pow3A : vector<48x32768xf32>
    %mul3A = arith.constant 4.471500e-02 : f32
    %mul3A_31 = vector.broadcast %mul3A : f32 to vector<48x32768xf32>
    %mul3A_32 = arith.mulf %mul3A_31, %integer_pow3A_30 : vector<48x32768xf32>
    %add3A_33 = arith.addf %add3A_29, %mul3A_32 : vector<48x32768xf32>
    %mul3A_34 = arith.constant 0.797884583 : f32
    %mul3A_35 = vector.broadcast %mul3A_34 : f32 to vector<48x32768xf32>
    %mul3A_36 = arith.mulf %mul3A_35, %add3A_33 : vector<48x32768xf32>
    %tanh3A = math.tanh %mul3A_36 : vector<48x32768xf32>
    %add3A_37 = arith.constant 1.000000e+00 : f32
    %add3A_38 = vector.broadcast %add3A_37 : f32 to vector<48x32768xf32>
    %add3A_39 = arith.addf %add3A_38, %tanh3A : vector<48x32768xf32>
    %mul3A_40 = arith.constant 5.000000e-01 : f32
    %mul3A_41 = vector.broadcast %mul3A_40 : f32 to vector<48x32768xf32>
    %mul3A_42 = arith.mulf %mul3A_41, %add3A_39 : vector<48x32768xf32>
    %mul3A_43 = arith.mulf %add3A_29, %mul3A_42 : vector<48x32768xf32>
    %get3A_44 = arith.constant 0 : index
    %get3A_45 = arith.constant 0 : index
    %get3A_46 = vector.load %arg4[%get3A_44, %get3A_45] : memref<96x48xf32, #tpu.memory_space<vmem>>, vector<96x48xf32>
    %dot_general3A_47 = arith.constant dense<0.000000e+00> : vector<96x32768xf32>
    %dot_general3A_48 = tpu.matmul %get3A_46, %mul3A_43, %dot_general3A_47 {dimension_numbers = #tpu.dot_dimension_numbers<[1], [0], [0], [1], [0, 0, 1, 1], [], []>, transpose_lhs_hint = false} : vector<96x48xf32>, vector<48x32768xf32>, vector<96x32768xf32> -> vector<96x32768xf32>
    %get3A_49 = arith.constant 0 : index
    %get3A_50 = arith.constant 0 : index
    %get3A_51 = vector.load %arg5[%get3A_49, %get3A_50] : memref<96x1xf32, #tpu.memory_space<vmem>>, vector<96x1xf32>
    %add3A_52 = vector.broadcast %get3A_51 : vector<96x1xf32> to vector<96x32768xf32>
    %add3A_53 = arith.addf %dot_general3A_48, %add3A_52 : vector<96x32768xf32>
    %slice3A = vector.extract_strided_slice %add3A_53 {offsets = [0, 0], sizes = [48, 32768], strides = [1, 1]} : vector<96x32768xf32> to vector<48x32768xf32>
    %slice3A_54 = vector.extract_strided_slice %add3A_53 {offsets = [48, 0], sizes = [48, 32768], strides = [1, 1]} : vector<96x32768xf32> to vector<48x32768xf32>
    %logistic3A = arith.negf %slice3A_54 : vector<48x32768xf32>
    %logistic3A_55 = math.exp %logistic3A : vector<48x32768xf32>
    %logistic3A_56 = arith.constant 1.000000e+00 : f32
    %logistic3A_57 = vector.broadcast %logistic3A_56 : f32 to vector<48x32768xf32>
    %logistic3A_58 = arith.addf %logistic3A_57, %logistic3A_55 : vector<48x32768xf32>
    %logistic3A_59 = arith.divf %logistic3A_57, %logistic3A_58 : vector<48x32768xf32>
    %mul3A_60 = arith.mulf %slice3A, %logistic3A_59 : vector<48x32768xf32>
    %slice3A_61 = vector.extract_strided_slice %mul3A_60 {offsets = [0, 0], sizes = [48, 8192], strides = [1, 1]} : vector<48x32768xf32> to vector<48x8192xf32>
    %swap3A_62 = arith.constant 0 : index
    %swap3A_63 = arith.constant 256 : index
    %swap3A_64 = vector.load %arg14[%swap3A_62, %swap3A_63] : memref<48x33792xf32, #tpu.memory_space<vmem>>, vector<48x8192xf32>
    tpu.vector_store %arg14[%swap3A_62, %swap3A_63], %slice3A_61 {strides = array<i32>} : memref<48x33792xf32, #tpu.memory_space<vmem>>, vector<48x8192xf32>,
    %slice3A_65 = vector.extract_strided_slice %mul3A_60 {offsets = [0, 8192], sizes = [48, 8192], strides = [1, 1]} : vector<48x32768xf32> to vector<48x8192xf32>
    %swap3A_66 = arith.constant 0 : index
    %swap3A_67 = arith.constant 8704 : index
    %swap3A_68 = vector.load %arg14[%swap3A_66, %swap3A_67] : memref<48x33792xf32, #tpu.memory_space<vmem>>, vector<48x8192xf32>
    tpu.vector_store %arg14[%swap3A_66, %swap3A_67], %slice3A_65 {strides = array<i32>} : memref<48x33792xf32, #tpu.memory_space<vmem>>, vector<48x8192xf32>,
    %slice3A_69 = vector.extract_strided_slice %mul3A_60 {offsets = [0, 16384], sizes = [48, 8192], strides = [1, 1]} : vector<48x32768xf32> to vector<48x8192xf32>
    %swap3A_70 = arith.constant 0 : index
    %swap3A_71 = arith.constant 16896 : index
    %swap3A_72 = vector.load %arg14[%swap3A_70, %swap3A_71] : memref<48x33792xf32, #tpu.memory_space<vmem>>, vector<48x8192xf32>
    tpu.vector_store %arg14[%swap3A_70, %swap3A_71], %slice3A_69 {strides = array<i32>} : memref<48x33792xf32, #tpu.memory_space<vmem>>, vector<48x8192xf32>,
    %slice3A_73 = vector.extract_strided_slice %mul3A_60 {offsets = [0, 24576], sizes = [48, 8192], strides = [1, 1]} : vector<48x32768xf32> to vector<48x8192xf32>
    %swap3A_74 = arith.constant 0 : index
    %swap3A_75 = arith.constant 25344 : index
    %swap3A_76 = vector.load %arg14[%swap3A_74, %swap3A_75] : memref<48x33792xf32, #tpu.memory_space<vmem>>, vector<48x8192xf32>
    tpu.vector_store %arg14[%swap3A_74, %swap3A_75], %slice3A_73 {strides = array<i32>} : memref<48x33792xf32, #tpu.memory_space<vmem>>, vector<48x8192xf32>,
    %get3A_77 = arith.constant 0 : index
    %get3A_78 = arith.constant 0 : index
    %get3A_79 = vector.load %arg10[%get3A_77, %get3A_78] : memref<1024x96xf32, #tpu.memory_space<vmem>>, vector<1024x96xf32>
    %mul3A_80 = arith.mulf %get3A_79, %get3A_79 : vector<1024x96xf32>
    %reduce_sum3A = arith.constant dense<0.000000e+00> : vector<1024xf32>
    %reduce_sum3A_81 = vector.multi_reduction <add>, %mul3A_80, %reduce_sum3A [1] : vector<1024x96xf32> to vector<1024xf32>
    %broadcast_in_dim3A_82 = vector.shape_cast %reduce_sum3A_81 : vector<1024xf32> to vector<1024x1xf32>
    %mul3A_83 = arith.constant -2.000000e+00 : f32
    %mul3A_84 = vector.broadcast %mul3A_83 : f32 to vector<1024x96xf32>
    %mul3A_85 = arith.mulf %get3A_79, %mul3A_84 : vector<1024x96xf32>
    %concatenate3A = tpu.concatenate %mul3A_85, %broadcast_in_dim3A_82 in 1 : vector<1024x96xf32>, vector<1024x1xf32> -> vector<1024x97xf32>
    %get3A_86 = arith.constant 0 : index
    %get3A_87 = arith.constant 0 : index
    %get3A_88 = vector.load %arg14[%get3A_86, %get3A_87] : memref<48x33792xf32, #tpu.memory_space<vmem>>, vector<48x4096xf32>
    %get3A_89 = arith.constant 0 : index
    %get3A_90 = arith.constant 8448 : index
    %get3A_91 = vector.load %arg14[%get3A_89, %get3A_90] : memref<48x33792xf32, #tpu.memory_space<vmem>>, vector<48x4096xf32>
    %get3A_92 = arith.constant 0 : index
    %get3A_93 = arith.constant 16896 : index
    %get3A_94 = vector.load %arg14[%get3A_92, %get3A_93] : memref<48x33792xf32, #tpu.memory_space<vmem>>, vector<48x4096xf32>
    %get3A_95 = arith.constant 0 : index
    %get3A_96 = arith.constant 25344 : index
    %get3A_97 = vector.load %arg14[%get3A_95, %get3A_96] : memref<48x33792xf32, #tpu.memory_space<vmem>>, vector<48x4096xf32>
    %get3A_98 = arith.constant 0 : index
    %get3A_99 = arith.constant 256 : index
    %get3A_100 = vector.load %arg14[%get3A_98, %get3A_99] : memref<48x33792xf32, #tpu.memory_space<vmem>>, vector<48x4096xf32>
    %get3A_101 = arith.constant 0 : index
    %get3A_102 = arith.constant 8704 : index
    %get3A_103 = vector.load %arg14[%get3A_101, %get3A_102] : memref<48x33792xf32, #tpu.memory_space<vmem>>, vector<48x4096xf32>
    %get3A_104 = arith.constant 0 : index
    %get3A_105 = arith.constant 17152 : index
    %get3A_106 = vector.load %arg14[%get3A_104, %get3A_105] : memref<48x33792xf32, #tpu.memory_space<vmem>>, vector<48x4096xf32>
    %get3A_107 = arith.constant 0 : index
    %get3A_108 = arith.constant 25600 : index
    %get3A_109 = vector.load %arg14[%get3A_107, %get3A_108] : memref<48x33792xf32, #tpu.memory_space<vmem>>, vector<48x4096xf32>
    %concatenate3A_110 = tpu.concatenate %get3A_88, %get3A_91, %get3A_94, %get3A_97, %get3A_100, %get3A_103, %get3A_106, %get3A_109 in 0 : vector<48x4096xf32>, vector<48x4096xf32>, vector<48x4096xf32>, vector<48x4096xf32>, vector<48x4096xf32>, vector<48x4096xf32>, vector<48x4096xf32>, vector<48x4096xf32> -> vector<384x4096xf32>
    %get3A_111 = arith.constant 0 : index
    %get3A_112 = arith.constant 0 : index
    %get3A_113 = vector.load %arg6[%get3A_111, %get3A_112] : memref<96x384xf32, #tpu.memory_space<vmem>>, vector<96x384xf32>
    %dot_general3A_114 = arith.constant dense<0.000000e+00> : vector<96x4096xf32>
    %dot_general3A_115 = tpu.matmul %get3A_113, %concatenate3A_110, %dot_general3A_114 {dimension_numbers = #tpu.dot_dimension_numbers<[1], [0], [0], [1], [0, 0, 1, 1], [], []>, transpose_lhs_hint = false} : vector<96x384xf32>, vector<384x4096xf32>, vector<96x4096xf32> -> vector<96x4096xf32>
    %get3A_116 = arith.constant 0 : index
    %get3A_117 = arith.constant 0 : index
    %get3A_118 = vector.load %arg7[%get3A_116, %get3A_117] : memref<96x1xf32, #tpu.memory_space<vmem>>, vector<96x1xf32>
    %add3A_119 = vector.broadcast %get3A_118 : vector<96x1xf32> to vector<96x4096xf32>
    %add3A_120 = arith.addf %dot_general3A_115, %add3A_119 : vector<96x4096xf32>
    %integer_pow3A_121 = arith.mulf %add3A_120, %add3A_120 : vector<96x4096xf32>
    %integer_pow3A_122 = arith.mulf %add3A_120, %integer_pow3A_121 : vector<96x4096xf32>
    %mul3A_123 = arith.constant 4.471500e-02 : f32
    %mul3A_124 = vector.broadcast %mul3A_123 : f32 to vector<96x4096xf32>
    %mul3A_125 = arith.mulf %mul3A_124, %integer_pow3A_122 : vector<96x4096xf32>
    %add3A_126 = arith.addf %add3A_120, %mul3A_125 : vector<96x4096xf32>
    %mul3A_127 = arith.constant 0.797884583 : f32
    %mul3A_128 = vector.broadcast %mul3A_127 : f32 to vector<96x4096xf32>
    %mul3A_129 = arith.mulf %mul3A_128, %add3A_126 : vector<96x4096xf32>
    %tanh3A_130 = math.tanh %mul3A_129 : vector<96x4096xf32>
    %add3A_131 = arith.constant 1.000000e+00 : f32
    %add3A_132 = vector.broadcast %add3A_131 : f32 to vector<96x4096xf32>
    %add3A_133 = arith.addf %add3A_132, %tanh3A_130 : vector<96x4096xf32>
    %mul3A_134 = arith.constant 5.000000e-01 : f32
    %mul3A_135 = vector.broadcast %mul3A_134 : f32 to vector<96x4096xf32>
    %mul3A_136 = arith.mulf %mul3A_135, %add3A_133 : vector<96x4096xf32>
    %mul3A_137 = arith.mulf %add3A_120, %mul3A_136 : vector<96x4096xf32>
    %get3A_138 = arith.constant 0 : index
    %get3A_139 = arith.constant 0 : index
    %get3A_140 = vector.load %arg8[%get3A_138, %get3A_139] : memref<192x96xf32, #tpu.memory_space<vmem>>, vector<192x96xf32>
    %dot_general3A_141 = arith.constant dense<0.000000e+00> : vector<192x4096xf32>
    %dot_general3A_142 = tpu.matmul %get3A_140, %mul3A_137, %dot_general3A_141 {dimension_numbers = #tpu.dot_dimension_numbers<[1], [0], [0], [1], [0, 0, 1, 1], [], []>, transpose_lhs_hint = false} : vector<192x96xf32>, vector<96x4096xf32>, vector<192x4096xf32> -> vector<192x4096xf32>
    %get3A_143 = arith.constant 0 : index
    %get3A_144 = arith.constant 0 : index
    %get3A_145 = vector.load %arg9[%get3A_143, %get3A_144] : memref<192x1xf32, #tpu.memory_space<vmem>>, vector<192x1xf32>
    %add3A_146 = vector.broadcast %get3A_145 : vector<192x1xf32> to vector<192x4096xf32>
    %add3A_147 = arith.addf %dot_general3A_142, %add3A_146 : vector<192x4096xf32>
    %slice3A_148 = vector.extract_strided_slice %add3A_147 {offsets = [0, 0], sizes = [96, 4096], strides = [1, 1]} : vector<192x4096xf32> to vector<96x4096xf32>
    %slice3A_149 = vector.extract_strided_slice %add3A_147 {offsets = [96, 0], sizes = [96, 4096], strides = [1, 1]} : vector<192x4096xf32> to vector<96x4096xf32>
    %logistic3A_150 = arith.negf %slice3A_149 : vector<96x4096xf32>
    %logistic3A_151 = math.exp %logistic3A_150 : vector<96x4096xf32>
    %logistic3A_152 = arith.constant 1.000000e+00 : f32
    %logistic3A_153 = vector.broadcast %logistic3A_152 : f32 to vector<96x4096xf32>
    %logistic3A_154 = arith.addf %logistic3A_153, %logistic3A_151 : vector<96x4096xf32>
    %logistic3A_155 = arith.divf %logistic3A_153, %logistic3A_154 : vector<96x4096xf32>
    %mul3A_156 = arith.mulf %slice3A_148, %logistic3A_155 : vector<96x4096xf32>
    %swap3A_157 = arith.constant 0 : index
    %swap3A_158 = arith.constant 0 : index
    %swap3A_159 = arith.constant 0 : index
    %swap3A_160 = vector.load %arg12[%swap3A_157, %swap3A_158, %swap3A_159] : memref<1x96x8192xf32, #tpu.memory_space<vmem>>, vector<1x96x4096xf32>
    %swap3A_161 = vector.shape_cast %swap3A_160 : vector<1x96x4096xf32> to vector<96x4096xf32>
    %swap3A_162 = vector.shape_cast %mul3A_156 : vector<96x4096xf32> to vector<1x96x4096xf32>
    tpu.vector_store %arg12[%swap3A_157, %swap3A_158, %swap3A_159], %swap3A_162 {strides = array<i32>} : memref<1x96x8192xf32, #tpu.memory_space<vmem>>, vector<1x96x4096xf32>,
    %broadcast_in_dim3A_163 = arith.constant 1.000000e+00 : f32
    %broadcast_in_dim3A_164 = vector.broadcast %broadcast_in_dim3A_163 : f32 to vector<1x4096xf32>
    %concatenate3A_165 = tpu.concatenate %mul3A_156, %broadcast_in_dim3A_164 in 0 : vector<96x4096xf32>, vector<1x4096xf32> -> vector<97x4096xf32>
    %dot_general3A_166 = arith.constant dense<0.000000e+00> : vector<1024x4096xf32>
    %dot_general3A_167 = tpu.matmul %concatenate3A, %concatenate3A_165, %dot_general3A_166 {dimension_numbers = #tpu.dot_dimension_numbers<[1], [0], [0], [1], [0, 0, 1, 1], [], []>, transpose_lhs_hint = false} : vector<1024x97xf32>, vector<97x4096xf32>, vector<1024x4096xf32> -> vector<1024x4096xf32>
    %reduce_min3A = arith.constant dense<0x7F800000> : vector<4096xf32>
    %reduce_min3A_168 = vector.multi_reduction <minimumf>, %dot_general3A_167, %reduce_min3A [0] : vector<1024x4096xf32> to vector<4096xf32>
    %broadcast_in_dim3A_169 = vector.shape_cast %reduce_min3A_168 : vector<4096xf32> to vector<1x4096xf32>
    %eq3A = vector.broadcast %broadcast_in_dim3A_169 : vector<1x4096xf32> to vector<1024x4096xf32>
    %eq3A_170 = arith.cmpf oeq, %dot_general3A_167, %eq3A : vector<1024x4096xf32>
    %get3A_171 = arith.constant 0 : index
    %get3A_172 = arith.constant 0 : index
    %get3A_173 = vector.load %arg11[%get3A_171, %get3A_172] : memref<1024x1xf32, #tpu.memory_space<vmem>>, vector<1024x1xf32>
    %jit3A = arith.constant 2.048000e+03 : f32
    %broadcast_in_dim3A_174 = vector.shape_cast %get3A_173 : vector<1024x1xf32> to vector<1024x1xf32>
    %broadcast_in_dim3A_175 = vector.broadcast %broadcast_in_dim3A_174 : vector<1024x1xf32> to vector<1024x4096xf32>
    %broadcast_in_dim3A_176 = vector.broadcast %jit3A : f32 to vector<1024x4096xf32>
    %select_n3A = arith.select %eq3A_170, %broadcast_in_dim3A_175, %broadcast_in_dim3A_176 : vector<1024x4096xi1>, vector<1024x4096xf32>
    %reduce_min3A_177 = arith.constant dense<0x7F800000> : vector<4096xf32>
    %reduce_min3A_178 = vector.multi_reduction <minimumf>, %select_n3A, %reduce_min3A_177 [0] : vector<1024x4096xf32> to vector<4096xf32>
    %broadcast_in_dim3A_179 = vector.shape_cast %reduce_min3A_178 : vector<4096xf32> to vector<1x4096xf32>
    %convert_element_type3A = arith.fptosi %broadcast_in_dim3A_179 : vector<1x4096xf32> to vector<1x4096xi32>
    %swap3A_180 = arith.constant 0 : index
    %swap3A_181 = arith.constant 0 : index
    %swap3A_182 = arith.constant 0 : index
    %swap3A_183 = vector.load %arg13[%swap3A_180, %swap3A_181, %swap3A_182] : memref<1x1x8192xi32, #tpu.memory_space<vmem>>, vector<1x1x4096xi32>
    %swap3A_184 = vector.shape_cast %swap3A_183 : vector<1x1x4096xi32> to vector<1x4096xi32>
    %swap3A_185 = vector.shape_cast %convert_element_type3A : vector<1x4096xi32> to vector<1x1x4096xi32>
    tpu.vector_store %arg13[%swap3A_180, %swap3A_181, %swap3A_182], %swap3A_185 {strides = array<i32>} : memref<1x1x8192xi32, #tpu.memory_space<vmem>>, vector<1x1x4096xi32>,
    %get3A_186 = arith.constant 0 : index
    %get3A_187 = arith.constant 4096 : index
    %get3A_188 = vector.load %arg14[%get3A_186, %get3A_187] : memref<48x33792xf32, #tpu.memory_space<vmem>>, vector<48x4096xf32>
    %get3A_189 = arith.constant 0 : index
    %get3A_190 = arith.constant 12544 : index
    %get3A_191 = vector.load %arg14[%get3A_189, %get3A_190] : memref<48x33792xf32, #tpu.memory_space<vmem>>, vector<48x4096xf32>
    %get3A_192 = arith.constant 0 : index
    %get3A_193 = arith.constant 20992 : index
    %get3A_194 = vector.load %arg14[%get3A_192, %get3A_193] : memref<48x33792xf32, #tpu.memory_space<vmem>>, vector<48x4096xf32>
    %get3A_195 = arith.constant 0 : index
    %get3A_196 = arith.constant 29440 : index
    %get3A_197 = vector.load %arg14[%get3A_195, %get3A_196] : memref<48x33792xf32, #tpu.memory_space<vmem>>, vector<48x4096xf32>
    %get3A_198 = arith.constant 0 : index
    %get3A_199 = arith.constant 4352 : index
    %get3A_200 = vector.load %arg14[%get3A_198, %get3A_199] : memref<48x33792xf32, #tpu.memory_space<vmem>>, vector<48x4096xf32>
    %get3A_201 = arith.constant 0 : index
    %get3A_202 = arith.constant 12800 : index
    %get3A_203 = vector.load %arg14[%get3A_201, %get3A_202] : memref<48x33792xf32, #tpu.memory_space<vmem>>, vector<48x4096xf32>
    %get3A_204 = arith.constant 0 : index
    %get3A_205 = arith.constant 21248 : index
    %get3A_206 = vector.load %arg14[%get3A_204, %get3A_205] : memref<48x33792xf32, #tpu.memory_space<vmem>>, vector<48x4096xf32>
    %get3A_207 = arith.constant 0 : index
    %get3A_208 = arith.constant 29696 : index
    %get3A_209 = vector.load %arg14[%get3A_207, %get3A_208] : memref<48x33792xf32, #tpu.memory_space<vmem>>, vector<48x4096xf32>
    %concatenate3A_210 = tpu.concatenate %get3A_188, %get3A_191, %get3A_194, %get3A_197, %get3A_200, %get3A_203, %get3A_206, %get3A_209 in 0 : vector<48x4096xf32>, vector<48x4096xf32>, vector<48x4096xf32>, vector<48x4096xf32>, vector<48x4096xf32>, vector<48x4096xf32>, vector<48x4096xf32>, vector<48x4096xf32> -> vector<384x4096xf32>
    %get3A_211 = arith.constant 0 : index
    %get3A_212 = arith.constant 0 : index
    %get3A_213 = vector.load %arg6[%get3A_211, %get3A_212] : memref<96x384xf32, #tpu.memory_space<vmem>>, vector<96x384xf32>
    %dot_general3A_214 = arith.constant dense<0.000000e+00> : vector<96x4096xf32>
    %dot_general3A_215 = tpu.matmul %get3A_213, %concatenate3A_210, %dot_general3A_214 {dimension_numbers = #tpu.dot_dimension_numbers<[1], [0], [0], [1], [0, 0, 1, 1], [], []>, transpose_lhs_hint = false} : vector<96x384xf32>, vector<384x4096xf32>, vector<96x4096xf32> -> vector<96x4096xf32>
    %get3A_216 = arith.constant 0 : index
    %get3A_217 = arith.constant 0 : index
    %get3A_218 = vector.load %arg7[%get3A_216, %get3A_217] : memref<96x1xf32, #tpu.memory_space<vmem>>, vector<96x1xf32>
    %add3A_219 = vector.broadcast %get3A_218 : vector<96x1xf32> to vector<96x4096xf32>
    %add3A_220 = arith.addf %dot_general3A_215, %add3A_219 : vector<96x4096xf32>
    %integer_pow3A_221 = arith.mulf %add3A_220, %add3A_220 : vector<96x4096xf32>
    %integer_pow3A_222 = arith.mulf %add3A_220, %integer_pow3A_221 : vector<96x4096xf32>
    %mul3A_223 = arith.constant 4.471500e-02 : f32
    %mul3A_224 = vector.broadcast %mul3A_223 : f32 to vector<96x4096xf32>
    %mul3A_225 = arith.mulf %mul3A_224, %integer_pow3A_222 : vector<96x4096xf32>
    %add3A_226 = arith.addf %add3A_220, %mul3A_225 : vector<96x4096xf32>
    %mul3A_227 = arith.constant 0.797884583 : f32
    %mul3A_228 = vector.broadcast %mul3A_227 : f32 to vector<96x4096xf32>
    %mul3A_229 = arith.mulf %mul3A_228, %add3A_226 : vector<96x4096xf32>
    %tanh3A_230 = math.tanh %mul3A_229 : vector<96x4096xf32>
    %add3A_231 = arith.constant 1.000000e+00 : f32
    %add3A_232 = vector.broadcast %add3A_231 : f32 to vector<96x4096xf32>
    %add3A_233 = arith.addf %add3A_232, %tanh3A_230 : vector<96x4096xf32>
    %mul3A_234 = arith.constant 5.000000e-01 : f32
    %mul3A_235 = vector.broadcast %mul3A_234 : f32 to vector<96x4096xf32>
    %mul3A_236 = arith.mulf %mul3A_235, %add3A_233 : vector<96x4096xf32>
    %mul3A_237 = arith.mulf %add3A_220, %mul3A_236 : vector<96x4096xf32>
    %get3A_238 = arith.constant 0 : index
    %get3A_239 = arith.constant 0 : index
    %get3A_240 = vector.load %arg8[%get3A_238, %get3A_239] : memref<192x96xf32, #tpu.memory_space<vmem>>, vector<192x96xf32>
    %dot_general3A_241 = arith.constant dense<0.000000e+00> : vector<192x4096xf32>
    %dot_general3A_242 = tpu.matmul %get3A_240, %mul3A_237, %dot_general3A_241 {dimension_numbers = #tpu.dot_dimension_numbers<[1], [0], [0], [1], [0, 0, 1, 1], [], []>, transpose_lhs_hint = false} : vector<192x96xf32>, vector<96x4096xf32>, vector<192x4096xf32> -> vector<192x4096xf32>
    %get3A_243 = arith.constant 0 : index
    %get3A_244 = arith.constant 0 : index
    %get3A_245 = vector.load %arg9[%get3A_243, %get3A_244] : memref<192x1xf32, #tpu.memory_space<vmem>>, vector<192x1xf32>
    %add3A_246 = vector.broadcast %get3A_245 : vector<192x1xf32> to vector<192x4096xf32>
    %add3A_247 = arith.addf %dot_general3A_242, %add3A_246 : vector<192x4096xf32>
    %slice3A_248 = vector.extract_strided_slice %add3A_247 {offsets = [0, 0], sizes = [96, 4096], strides = [1, 1]} : vector<192x4096xf32> to vector<96x4096xf32>
    %slice3A_249 = vector.extract_strided_slice %add3A_247 {offsets = [96, 0], sizes = [96, 4096], strides = [1, 1]} : vector<192x4096xf32> to vector<96x4096xf32>
    %logistic3A_250 = arith.negf %slice3A_249 : vector<96x4096xf32>
    %logistic3A_251 = math.exp %logistic3A_250 : vector<96x4096xf32>
    %logistic3A_252 = arith.constant 1.000000e+00 : f32
    %logistic3A_253 = vector.broadcast %logistic3A_252 : f32 to vector<96x4096xf32>
    %logistic3A_254 = arith.addf %logistic3A_253, %logistic3A_251 : vector<96x4096xf32>
    %logistic3A_255 = arith.divf %logistic3A_253, %logistic3A_254 : vector<96x4096xf32>
    %mul3A_256 = arith.mulf %slice3A_248, %logistic3A_255 : vector<96x4096xf32>
    %swap3A_257 = arith.constant 0 : index
    %swap3A_258 = arith.constant 0 : index
    %swap3A_259 = arith.constant 4096 : index
    %swap3A_260 = vector.load %arg12[%swap3A_257, %swap3A_258, %swap3A_259] : memref<1x96x8192xf32, #tpu.memory_space<vmem>>, vector<1x96x4096xf32>
    %swap3A_261 = vector.shape_cast %swap3A_260 : vector<1x96x4096xf32> to vector<96x4096xf32>
    %swap3A_262 = vector.shape_cast %mul3A_256 : vector<96x4096xf32> to vector<1x96x4096xf32>
    tpu.vector_store %arg12[%swap3A_257, %swap3A_258, %swap3A_259], %swap3A_262 {strides = array<i32>} : memref<1x96x8192xf32, #tpu.memory_space<vmem>>, vector<1x96x4096xf32>,
    %broadcast_in_dim3A_263 = arith.constant 1.000000e+00 : f32
    %broadcast_in_dim3A_264 = vector.broadcast %broadcast_in_dim3A_263 : f32 to vector<1x4096xf32>
    %concatenate3A_265 = tpu.concatenate %mul3A_256, %broadcast_in_dim3A_264 in 0 : vector<96x4096xf32>, vector<1x4096xf32> -> vector<97x4096xf32>
    %dot_general3A_266 = arith.constant dense<0.000000e+00> : vector<1024x4096xf32>
    %dot_general3A_267 = tpu.matmul %concatenate3A, %concatenate3A_265, %dot_general3A_266 {dimension_numbers = #tpu.dot_dimension_numbers<[1], [0], [0], [1], [0, 0, 1, 1], [], []>, transpose_lhs_hint = false} : vector<1024x97xf32>, vector<97x4096xf32>, vector<1024x4096xf32> -> vector<1024x4096xf32>
    %reduce_min3A_268 = arith.constant dense<0x7F800000> : vector<4096xf32>
    %reduce_min3A_269 = vector.multi_reduction <minimumf>, %dot_general3A_267, %reduce_min3A_268 [0] : vector<1024x4096xf32> to vector<4096xf32>
    %broadcast_in_dim3A_270 = vector.shape_cast %reduce_min3A_269 : vector<4096xf32> to vector<1x4096xf32>
    %eq3A_271 = vector.broadcast %broadcast_in_dim3A_270 : vector<1x4096xf32> to vector<1024x4096xf32>
    %eq3A_272 = arith.cmpf oeq, %dot_general3A_267, %eq3A_271 : vector<1024x4096xf32>
    %get3A_273 = arith.constant 0 : index
    %get3A_274 = arith.constant 0 : index
    %get3A_275 = vector.load %arg11[%get3A_273, %get3A_274] : memref<1024x1xf32, #tpu.memory_space<vmem>>, vector<1024x1xf32>
    %jit3A_276 = arith.constant 2.048000e+03 : f32
    %broadcast_in_dim3A_277 = vector.shape_cast %get3A_275 : vector<1024x1xf32> to vector<1024x1xf32>
    %broadcast_in_dim3A_278 = vector.broadcast %broadcast_in_dim3A_277 : vector<1024x1xf32> to vector<1024x4096xf32>
    %broadcast_in_dim3A_279 = vector.broadcast %jit3A_276 : f32 to vector<1024x4096xf32>
    %select_n3A_280 = arith.select %eq3A_272, %broadcast_in_dim3A_278, %broadcast_in_dim3A_279 : vector<1024x4096xi1>, vector<1024x4096xf32>
    %reduce_min3A_281 = arith.constant dense<0x7F800000> : vector<4096xf32>
    %reduce_min3A_282 = vector.multi_reduction <minimumf>, %select_n3A_280, %reduce_min3A_281 [0] : vector<1024x4096xf32> to vector<4096xf32>
    %broadcast_in_dim3A_283 = vector.shape_cast %reduce_min3A_282 : vector<4096xf32> to vector<1x4096xf32>
    %convert_element_type3A_284 = arith.fptosi %broadcast_in_dim3A_283 : vector<1x4096xf32> to vector<1x4096xi32>
    %swap3A_285 = arith.constant 0 : index
    %swap3A_286 = arith.constant 0 : index
    %swap3A_287 = arith.constant 4096 : index
    %swap3A_288 = vector.load %arg13[%swap3A_285, %swap3A_286, %swap3A_287] : memref<1x1x8192xi32, #tpu.memory_space<vmem>>, vector<1x1x4096xi32>
    %swap3A_289 = vector.shape_cast %swap3A_288 : vector<1x1x4096xi32> to vector<1x4096xi32>
    %swap3A_290 = vector.shape_cast %convert_element_type3A_284 : vector<1x4096xi32> to vector<1x1x4096xi32>
    tpu.vector_store %arg13[%swap3A_285, %swap3A_286, %swap3A_287], %swap3A_290 {strides = array<i32>} : memref<1x1x8192xi32, #tpu.memory_space<vmem>>, vector<1x1x4096xi32>,
    return
  }
  func.func @transform_0(%arg0: i32) -> (i32, i32, i32) {
    %c0_i32 = arith.constant 0 : i32
    %c0_i32_0 = arith.constant 0 : i32
    %c0_i32_1 = arith.constant 0 : i32
    return %arg0, %c0_i32, %c0_i32_0 : i32, i32, i32
  }
  func.func @transform_1(%arg0: i32) -> (i32, i32) {
    %c0_i32 = arith.constant 0 : i32
    %c0_i32_0 = arith.constant 0 : i32
    %c0_i32_1 = arith.constant 0 : i32
    return %c0_i32, %c0_i32_0 : i32, i32
  }
  func.func @transform_2(%arg0: i32) -> (i32, i32) {
    %c0_i32 = arith.constant 0 : i32
    %c0_i32_0 = arith.constant 0 : i32
    %c0_i32_1 = arith.constant 0 : i32
    return %c0_i32, %c0_i32_0 : i32, i32
  }
  func.func @transform_3(%arg0: i32) -> (i32, i32) {
    %c0_i32 = arith.constant 0 : i32
    %c0_i32_0 = arith.constant 0 : i32
    %c0_i32_1 = arith.constant 0 : i32
    return %c0_i32, %c0_i32_0 : i32, i32
  }
  func.func @transform_4(%arg0: i32) -> (i32, i32) {
    %c0_i32 = arith.constant 0 : i32
    %c0_i32_0 = arith.constant 0 : i32
    %c0_i32_1 = arith.constant 0 : i32
    return %c0_i32, %c0_i32_0 : i32, i32
  }
  func.func @transform_5(%arg0: i32) -> (i32, i32) {
    %c0_i32 = arith.constant 0 : i32
    %c0_i32_0 = arith.constant 0 : i32
    %c0_i32_1 = arith.constant 0 : i32
    return %c0_i32, %c0_i32_0 : i32, i32
  }
  func.func @transform_6(%arg0: i32) -> (i32, i32) {
    %c0_i32 = arith.constant 0 : i32
    %c0_i32_0 = arith.constant 0 : i32
    %c0_i32_1 = arith.constant 0 : i32
    return %c0_i32, %c0_i32_0 : i32, i32
  }
  func.func @transform_7(%arg0: i32) -> (i32, i32) {
    %c0_i32 = arith.constant 0 : i32
    %c0_i32_0 = arith.constant 0 : i32
    %c0_i32_1 = arith.constant 0 : i32
    return %c0_i32, %c0_i32_0 : i32, i32
  }
  func.func @transform_8(%arg0: i32) -> (i32, i32) {
    %c0_i32 = arith.constant 0 : i32
    %c0_i32_0 = arith.constant 0 : i32
    %c0_i32_1 = arith.constant 0 : i32
    return %c0_i32, %c0_i32_0 : i32, i32
  }
  func.func @transform_9(%arg0: i32) -> (i32, i32) {
    %c0_i32 = arith.constant 0 : i32
    %c0_i32_0 = arith.constant 0 : i32
    %c0_i32_1 = arith.constant 0 : i32
    return %c0_i32, %c0_i32_0 : i32, i32
  }
  func.func @transform_10(%arg0: i32) -> (i32, i32) {
    %c0_i32 = arith.constant 0 : i32
    %c0_i32_0 = arith.constant 0 : i32
    %c0_i32_1 = arith.constant 0 : i32
    return %c0_i32, %c0_i32_0 : i32, i32
  }
  func.func @transform_11(%arg0: i32) -> (i32, i32, i32) {
    %c0_i32 = arith.constant 0 : i32
    %c0_i32_0 = arith.constant 0 : i32
    %c0_i32_1 = arith.constant 0 : i32
    return %arg0, %c0_i32, %c0_i32_0 : i32, i32, i32
  }
  func.func @transform_12(%arg0: i32) -> (i32, i32, i32) {
    %c0_i32 = arith.constant 0 : i32
    %c0_i32_0 = arith.constant 0 : i32
    %c0_i32_1 = arith.constant 0 : i32
    return %arg0, %c0_i32, %c0_i32_0 : i32, i32, i32
  }
}

</mosaic_0001>

<sc_bundles>
// kernel: kernel.10.cloned.1.call-start
scs
__scs_entry_jumppad:
0x0: {  	(pc) =	sbr.rel $0x88, $3  }
0x1: {  	(tag) =	ssettag $0x0;
	lr =	simm.s32 $0x1  }
0x2: {  	[smem:$0x3F97] =	sst lr;
	_ =	strace $0xD0000000  }
0x3: {  	_ = 	snop  }
0x4: {  	_ = 	snop  }
0x5: {  	_ = 	snop  }
0x6: {  	_ = 	snop  }
0x7: {  	_ = 	snop  }
__scs_overlays_trampoline_lowered:
0x8: {  	[smem:$0x3FA6] =	sst s0  }
0x9: {  	[smem:$0x3FA7] =	sst s1  }
0xa: {  	[smem:$0x3FA8] =	sst s2  }
0xb: {  	[smem:$0x3FA9] =	sst s3  }
0xc: {  	[smem:$0x3FAA] =	sst s4  }
0xd: {  	[smem:$0x3FAB] =	sst s5  }
0xe: {  	[smem:$0x3FAC] =	sst s6  }
0xf: {  	[smem:$0x3FAD] =	sst s7  }
0x10: {  	[smem:$0x3FAE] =	sst s8  }
0x11: {  	[smem:$0x3FAF] =	sst s9;
	s0 =	simm.s32 @!p0 $0x0  }
0x12: {  	s1 =	sld [smem:$0x3F95];
	s0 =	simm.s32 @p0 $0x1  }
0x13: {  	[smem:$0x3FB0] =	sst s0;
	s0 =	simm.s32 @!p1 $0x0  }
0x14: {  	s2 =	sld [smem:$0x3F94];
	s0 =	simm.s32 @p1 $0x1  }
0x15: {  	[smem:$0x3FB1] =	sst s0;
	s0 =	simm.s32 @!p2 $0x0  }
0x16: {  	s3 =	sld [smem:$0x3FDB];
	s0 =	simm.s32 @p2 $0x1  }
0x17: {  	s4 =	simm.s32 $0x1BF5;
	[smem:$0x3FB3] =	sst s0  }
0x18: {  	s0 =	sld [smem:$0x3F96];
	_ =	swait.ge [sflag:s4], $0x0  }
0x19: {  	s7 =	sld [smem:$0x3F97]  }
0x1a: {  	s8 =	sadd.s32 $0xFFFFE003, lr  }
0x1b: {  	s9 =	sadd.s32 $0xFFFFFEF7, lr;
	s5 =	simm.s32 $0xFFFFFFFF;
	p2 =	slt.u32 s8, $0xFFFFF086  }
0x1c: {  	p1 =	slt.u32 s9, $0xF7A;
	s5 =	simm.s32 @!p2 $0x0  }
0x1d: {  	s5 =	simm.s32 @p1 $0x1;
	p0 =	seq.s32 s7, s2  }
0x1e: {  	s7 =	smul.u32 @!p0 $0xF7A, s2;
	p2 =	seq.s32 @!p0 s5, $0x0  }
0x1f: {  	s9 =	smul.u32 $0xF7A, s1;
	s8 =	simm.s32 @!p0 $0x1BF5;
	p2 =	por !p2, p0  }
0x20: {  	[sflag:s8] =	ssyncset.s32 @!p0 $0xFFFFF086;
	s6 =	sadd.s32 @!p0 s3, s7;
	s7 =	simm.s32 @!p0 $0x108  }
0x21: {  	s3 =	sadd.s32 s3, s9;
	s6 =	sadd.s32 @!p0 $0x88, s6;
	s7 =	simm.s32 @p2 $0x1082  }
0x22: {  	[simem:s7], [sflag:s8] =	dma.local @!p0 [hbm:s6], $0xF7A  }
0x23: {  	s9 =	sor.u32 $0xD0000000, s2;
	s6 =	simm.s32 $0x108;
	_ =	swait.ge @!p0 [sflag:s8], $0x0  }
0x24: {  	s3 =	sadd.s32 $0x88, s3;
	s6 =	simm.s32 @!p1 $0x1082;
	[sflag:s4] =	ssyncset.s32 $0xFFFFF086  }
0x25: {  	[simem:s6], [sflag:s4] =	dma.local [hbm:s3], $0xF7A  }
0x26: {  	[smem:$0x3F97] =	sst s1;
	(tag) =	ssettag s2;
	_ =	strace s9  }
0x27: {  	s1 =	sld [smem:$0x3FA7]  }
0x28: {  	s2 =	sld [smem:$0x3FA8]  }
0x29: {  	s4 =	sld [smem:$0x3FAA]  }
0x2a: {  	p0 =	seq.s32 s5, $0x0;
	s5 =	sld [smem:$0x3FAB]  }
0x2b: {  	s6 =	sld [smem:$0x3FAC]  }
0x2c: {  	s7 =	sld [smem:$0x3FAD]  }
0x2d: {  	s3 =	simm.s32 $0x108;
	s8 =	sld [smem:$0x3FAE]  }
0x2e: {  	s3 =	simm.s32 @!p0 $0x1082;
	s9 =	sld [smem:$0x3FAF]  }
0x2f: {  	lr =	sadd.s32 s0, s3;
	s0 =	sld [smem:$0x3FA6]  }
0x30: {  	s3 =	sld [smem:$0x3FA9]  }
0x31: {  	[smem:$0x3FB2] =	sst s10  }
0x32: {  	s10 =	sld [smem:$0x3FB0];
	_ =	sdelay $0x3  }
0x33: {  	p0 =	seq.s32 s10, $0x1;
	s10 =	sld [smem:$0x3FB2];
	_ =	sdelay $0x3  }
0x34: {  	[smem:$0x3FB2] =	sst s10  }
0x35: {  	s10 =	sld [smem:$0x3FB1];
	_ =	sdelay $0x3  }
0x36: {  	p1 =	seq.s32 s10, $0x1;
	s10 =	sld [smem:$0x3FB2];
	_ =	sdelay $0x3  }
0x37: {  	[smem:$0x3FB2] =	sst s10  }
0x38: {  	s10 =	sld [smem:$0x3FB3]  }
0x39: {  	_ = 	snop;
	(pc) =	sbr.ind lr, $3  }
0x3a: {  	_ = 	snop  }
0x3b: {  	_ = 	snop  }
0x3c: {  	p2 =	seq.s32 s10, $0x1;
	s10 =	sld [smem:$0x3FB2]  }
0x3d: {  	_ =	shalt  }
0x3e: {  	_ =	shalt  }
0x3f: {  	_ =	shalt  }
0x40: {  	_ =	shalt  }
0x41: {  	_ =	shalt  }
0x42: {  	_ =	shalt  }
0x43: {  	_ =	shalt  }
0x44: {  	_ =	shalt  }
0x45: {  	_ =	shalt  }
0x46: {  	_ =	shalt  }
0x47: {  	_ =	shalt  }
0x48: {  	_ =	shalt  }
0x49: {  	_ =	shalt  }
0x4a: {  	_ =	shalt  }
0x4b: {  	_ =	shalt  }
0x4c: {  	_ =	shalt  }
0x4d: {  	_ =	shalt  }
0x4e: {  	_ =	shalt  }
0x4f: {  	_ =	shalt  }
0x50: {  	_ =	shalt  }
0x51: {  	_ =	shalt  }
0x52: {  	_ =	shalt  }
0x53: {  	_ =	shalt  }
0x54: {  	_ =	shalt  }
0x55: {  	_ =	shalt  }
0x56: {  	_ =	shalt  }
0x57: {  	_ =	shalt  }
0x58: {  	_ =	shalt  }
0x59: {  	_ =	shalt  }
0x5a: {  	_ =	shalt  }
0x5b: {  	_ =	shalt  }
0x5c: {  	_ =	shalt  }
0x5d: {  	_ =	shalt  }
0x5e: {  	_ =	shalt  }
0x5f: {  	_ =	shalt  }
0x60: {  	_ =	shalt  }
0x61: {  	_ =	shalt  }
0x62: {  	_ =	shalt  }
0x63: {  	_ =	shalt  }
0x64: {  	_ =	shalt  }
0x65: {  	_ =	shalt  }
0x66: {  	_ =	shalt  }
0x67: {  	_ =	shalt  }
0x68: {  	_ =	shalt  }
0x69: {  	_ =	shalt  }
0x6a: {  	_ =	shalt  }
0x6b: {  	_ =	shalt  }
0x6c: {  	_ =	shalt  }
0x6d: {  	_ =	shalt  }
0x6e: {  	_ =	shalt  }
0x6f: {  	_ =	shalt  }
0x70: {  	_ =	shalt  }
0x71: {  	_ =	shalt  }
0x72: {  	_ =	shalt  }
0x73: {  	_ =	shalt  }
0x74: {  	_ =	shalt  }
0x75: {  	_ =	shalt  }
0x76: {  	_ =	shalt  }
0x77: {  	_ =	shalt  }
0x78: {  	_ =	shalt  }
0x79: {  	_ =	shalt  }
0x7a: {  	_ =	shalt  }
0x7b: {  	_ =	shalt  }
0x7c: {  	_ =	shalt  }
0x7d: {  	_ =	shalt  }
0x7e: {  	_ =	shalt  }
0x7f: {  	_ =	shalt  }
0x80: {  	_ =	shalt  }
0x81: {  	_ =	shalt  }
0x82: {  	_ =	shalt  }
0x83: {  	_ =	shalt  }
0x84: {  	_ =	shalt  }
0x85: {  	_ =	shalt  }
0x86: {  	_ =	shalt  }
0x87: {  	_ =	shalt  }
.Lfunc_end0:
.L_simem_size_0:
called_computation_lowered:
.L_overlay_start_0:
0x88: {  	s2 =	sld [smem:$0x3FD9]  }
0x89: {  	s3 =	sld [smem:$0x3FFE];
	_ =	sdelay $0x1  }
0x8a: {  	s1 =	srdreg.scid  }
0x8b: {  	s0 =	sand.u32 $0x1, s1  }
0x8c: {  	s16 =	sshll.u32 s0, $0xA;
	s2 =	sadd.s32 s3, s2  }
0x8d: {  	s2 =	sadd.s32 s2, s16  }
0x8e: {  	[smem:$0x3FBE] =	sst s2  }
0x8f: {  	_ = 	snop  }
0x90: {  	(tm) =	ssettm $0x1  }
0x91: {  	s17 =	sld [smem:$0x3FFB];
	_ =	sdelay $0x3  }
0x92: {  	_ =	strace s17  }
0x93: {  	s2 =	sld [smem:$0x3FFC];
	_ =	sdelay $0x3  }
0x94: {  	_ =	strace s2  }
0x95: {  	s2 =	sld [smem:$0x3FFD];
	_ =	sdelay $0x3  }
0x96: {  	_ =	strace s2  }
0x97: {  	_ =	strace $0x8FFFFFFF  }
0x98: {  	s18 =	sld [smem:$0x3FDB];
	_ =	sdelay $0x1  }
0x99: {  	s19 =	simm.s32 $_scs_section_size  }
0x9a: {  	s4 =	simm.s32 $_size__tile_overlayer_lowered;
	s5 =	simm.s32 $_tile_overlayer_lowered  }
0x9b: {  	s22 =	simm.s32 $0x1BFF;
	s21 =	sshll.u32 s5, $0x1;
	s2 =	sadd.s32 s19, s18  }
0x9c: {  	s6 =	simm.s32 $0x0;
	s20 =	sshll.u32 s4, $0x1;
	s4 =	sadd.s32 s21, s2  }
0x9d: {  	[timem:s6], [sflag:s22] =	dma.local [hbm:s4], s20  }
0x9e: {  	_ =	swait.ge [sflag:s22], s20  }
0x9f: {  	s3 =	ssub.s32 $0x0, s20;
	[sflag:s22] =	ssyncset.done $0x0  }
0xa0: {  	[sflag:s22] =	ssyncadd.s32 s3;
	_ =	sdelay $0x1  }
0xa1: {  	s23 =	simm.s32 $0x1B8B  }
0xa2: {  	_ =	swait.ge [sflag:s23], $0x1  }
0xa3: {  	[sflag:s23] =	ssyncset.done $0x0  }
0xa4: {  	s25 =	simm.s32 $0x1B8E;
	s24 =	sld [smem:$0x3FFE];
	[sflag:s23] =	ssyncadd.s32 $0xFFFFFFFF  }
0xa5: {  	s26 =	simm.s32 $execute0_lowered;
	[smem:$0x3FD2] =	sst s25  }
0xa6: {  	s4 =	sshll.u32 s26, $0x1;
	_ =	strace $0x80000046;
	[dreg:$0x1] =	wrdreg $0xFFFFFFFF  }
0xa7: {  	s28 =	simm.s32 $_size_execute0_lowered;
	s2 =	sadd.s32 s2, s4;
	[dreg:$0x0] =	wrdreg $0x0  }
0xa8: {  	s4 =	sshll.u32 s28, $0x1;
	[dreg:$0x2] =	wrdreg s2  }
0xa9: {  	[dreg:$0x3] =	wrdreg s4  }
0xaa: {  	[dreg:$0x4] =	wrdreg $0xC0  }
0xab: {  	_ =	task [dreg:s6], $0x5FFFF  }
0xac: {  	[dreg:$0x1] =	wrdreg $0xFFFFFFFF  }
0xad: {  	[dreg:$0x0] =	wrdreg $0x60  }
0xae: {  	[dreg:$0x2] =	wrdreg s24  }
0xaf: {  	[dreg:$0x3] =	wrdreg $0x102000  }
0xb0: {  	[dreg:$0x4] =	wrdreg $0x9  }
0xb1: {  	_ =	task.clear_ibuf [dreg:s6], $0x5FFFF;
	_ =	strace $0x90000046  }
0xb2: {  	s29 =	simm.s32 $0x9;
	_ =	strace $0x80000048  }
0xb3: {  	_ =	swait.ge [sflag:s29], $0x1  }
0xb4: {  	[sflag:s29] =	ssyncadd.s32 $0xFFFFFFFF  }
0xb5: {  	_ =	strace $0x90000048  }
0xb6: {  	_ =	sfence  }
0xb7: {  	s30 =	sld [smem:$0x0];
	_ =	sdelay $0x2  }
0xb8: {  	s31 =	sshll.u32 s1, $0xD;
	s1 =	sshrl.u32 s1, $0x2  }
0xb9: {  	s3 =	sand.u32 $0x4000, s31;
	s1 =	sadd.s32 s1, s30  }
0xba: {  	s0 =	sor.u32 s3, s0;
	s1 =	sshll.u32 s1, $0x11  }
0xbb: {  	s0 =	sor.u32 s1, s0  }
0xbc: {  	s0 =	sadd.s32 $0x8F2B, s0  }
0xbd: {  	[sflag:s0] =	ssyncadd.remote.s32 $0x1  }
0xbe: {  	_ =	sfence.sel $0xFFFF  }
0xbf: {  	[dreg:$0x0] =	wrdreg $0xFFFFFFFF;
	(pc) =	sbr.abs _section_cstart, $3  }
0xc0: {  	[dreg:$0x1] =	wrdreg $0xFFFFFFFF  }
0xc1: {  	_ =	task.clear_ibuf [dreg:s6], $0x2FFFF;
	_ =	strace $0x9FFFFFFF  }
0xc2: {  	(tm) =	ssettm $0x7FFFFFFF  }
0xc3: {  	_ =	shalt  }
tec
execute0_lowered:
.L_overlay_start_1:
0x0: {  	(tag) =	ssettag $0x1  }
0x1: {  	s4 =	srdreg.scid  }
0x2: {  	s4 =	sand.u32 $0x1, s4  }
0x3: {  	s6 =	sshll.u32 s4, $0x9;
	s4 =	ssub.s32 $0x2, s4  }
0x4: {  	s3 =	rddreg [dreg:$0x0];
	s9 =	sshrl.u32 s4, $0x1  }
0x5: {  	s2 =	rddreg [dreg:$0x1];
	s4 =	ssub.s32 s4, s9  }
0x6: {  	s0 =	rddreg [dreg:$0x2];
	s1 =	simm.s32 $0x0;
	s4 =	smax.u32 s4, $0x1  }
0x7: {  	s7 =	stileid.u32;
	p1 =	por $0x0, $0x0;
	s12 =	sadd.s32 $0xFFFFFFFF, s4  }
0x8: {  	[smem:$0x7FF] =	sst s1;
	s5 =	sshll.u32 s7, $0xA;
	p2 =	sne.s32 s12, $0x0  }
.Ltmp0:
0x9: {  	p0 =	sne.s32 s7, $0x0;
	s6 =	sor.u32 s6, s5;
	(pc) =	sbr.rel @!p2 .LBB2_3-.Ltmp0, $4  }
0xa: {  	s7 =	simm.s32 $0x200;
	_ =	strace $0x80000047;
	s8 =	sshrl.u32 s6, $0x3  }
0xb: {  	s5 =	sadd.s32 $0x4200, s3;
	s6 =	sshll.u32 s6, $0x4;
	s8 =	sadd.s32 s8, s3  }
0xc: {  	s9 =	sshrl.u32 @!p0 s2, $0x3;
	s3 =	sadd.s32 s6, s3;
	s6 =	sadd.s32 $0x8200, s8  }
0xd: {  	s3 =	sadd.s32 $0x8A00, s3;
	s4 =	simm.s32 $0x2;
	s8 =	simm.s32 $0x1  }
0xe: {  	s10 =	simm.s32 @!p0 $0x1C02;
	s11 =	simm.s32 @!p0 $0x2  }
0xf: {  	[spmem:s9], [sflag:s10] =	dma.local @!p0 [hbm:s5], $0x4000  }
0x10: {  	_ =	swait.ge @!p0 [sflag:s11], $0x4000  }
0x11: {  	[sflag:s11] =	ssyncset.done @!p0 $0x0  }
0x12: {  	[sflag:s11] =	ssyncadd.s32 @!p0 $0xFFFFC000  }
0x13: {  	[bflag:$0x0] =	sbarrier.arrive $0xFFFF  }
0x14: {  	[tilespmem:s1], [sflag:$0x2] =	stream.linear.gather [hbm4b:s6+s1], $0x200, $0x38;
	[tilespmem:$0x12200] =	vst v63  }
0x15: {  	_ =	swait.ge [sflag:s4], $0x200  }
0x16: {  	[sflag:s4] =	ssyncset.done $0x0  }
0x17: {  	s12 =	sadd.s32 $0xFFFFFFFF, s12;
	[sflag:s4] =	ssyncadd.s32 $0xFFFFFE00  }
0x18: {  	[tilespmem:s7], [sflag:$0x1] =	stream.indirect.gather [spmem:s2], $0x80, s1, s7, $0xb8;
	[tilespmem:$0x12200] =	vst v63  }
0x19: {  	p2 =	sne.s32 s12, $0x0;
	_ =	swait.ge [sflag:s8], $0x10000  }
.Ltmp1:
0x1a: {  	[sflag:s8] =	ssyncset.done $0x0;
	(pc) =	sbr.rel @!p2 .LBB2_3-.Ltmp1, $4  }
0x1b: {  	[sflag:s8] =	ssyncadd.s32 $0xFFFF0000  }
0x1c: {  	[hbm4b:s3+s1] =	stream.linear.scatter [tilespmem:s7], [sflag:$0x2], $0x10000, $0x38;
	[tilespmem:$0x12200] =	vst v63  }
0x1d: {  	_ =	swait.ge [sflag:s4], $0x10000  }
0x1e: {  	p1 =	por $0x1, $0x1;
	[sflag:s4] =	ssyncset.done $0x0  }
.LBB2_2:
0x1f: {  	[sflag:s4] =	ssyncadd.s32 $0xFFFF0000  }
0x20: {  	[spmem:s9], [sflag:s10] =	dma.local @!p0 [hbm:s5], $0x4000  }
0x21: {  	s12 =	sadd.s32 $0xFFFFFFFF, s12;
	_ =	swait.ge @!p0 [sflag:s11], $0x4000  }
0x22: {  	p2 =	sne.s32 s12, $0x0;
	[sflag:s11] =	ssyncset.done @!p0 $0x0  }
0x23: {  	[sflag:s11] =	ssyncadd.s32 @!p0 $0xFFFFC000  }
0x24: {  	[bflag:$0x0] =	sbarrier.arrive $0xFFFF  }
0x25: {  	[tilespmem:s1], [sflag:$0x2] =	stream.linear.gather [hbm4b:s6+s1], $0x200, $0x38;
	[tilespmem:$0x12200] =	vst v63  }
0x26: {  	_ =	swait.ge [sflag:s4], $0x200  }
0x27: {  	[sflag:s4] =	ssyncset.done $0x0  }
0x28: {  	[sflag:s4] =	ssyncadd.s32 $0xFFFFFE00  }
0x29: {  	[tilespmem:s7], [sflag:$0x1] =	stream.indirect.gather [spmem:s2], $0x80, s1, s7, $0xb8;
	[tilespmem:$0x12200] =	vst v63  }
0x2a: {  	_ =	swait.ge [sflag:s8], $0x10000  }
.Ltmp2:
0x2b: {  	[sflag:s8] =	ssyncset.done $0x0;
	(pc) =	sbr.rel @p2 .LBB2_2-.Ltmp2, $4  }
0x2c: {  	[sflag:s8] =	ssyncadd.s32 $0xFFFF0000  }
0x2d: {  	[hbm4b:s3+s1] =	stream.linear.scatter [tilespmem:s7], [sflag:$0x2], $0x10000, $0x38;
	[tilespmem:$0x12200] =	vst v63  }
0x2e: {  	_ =	swait.ge [sflag:s4], $0x10000  }
0x2f: {  	[sflag:s4] =	ssyncset.done $0x0  }
.LBB2_3:
0x30: {  	s10 =	simm.s32 @!p0 $0x1C02;
	s11 =	simm.s32 @!p0 $0x2;
	[sflag:s4] =	ssyncadd.s32 @p1 $0xFFFF0000  }
0x31: {  	[spmem:s9], [sflag:s10] =	dma.local @!p0 [hbm:s5], $0x4000  }
0x32: {  	_ =	swait.ge @!p0 [sflag:s11], $0x4000  }
0x33: {  	[sflag:s11] =	ssyncset.done @!p0 $0x0  }
0x34: {  	[sflag:s11] =	ssyncadd.s32 @!p0 $0xFFFFC000  }
0x35: {  	[bflag:$0x0] =	sbarrier.arrive $0xFFFF  }
0x36: {  	[tilespmem:s1], [sflag:$0x2] =	stream.linear.gather [hbm4b:s6+s1], $0x200, $0x38;
	[tilespmem:$0x12200] =	vst v63  }
0x37: {  	_ =	swait.ge [sflag:s4], $0x200  }
0x38: {  	[sflag:s4] =	ssyncset.done $0x0  }
0x39: {  	[sflag:s4] =	ssyncadd.s32 $0xFFFFFE00  }
0x3a: {  	[tilespmem:s7], [sflag:$0x1] =	stream.indirect.gather [spmem:s2], $0x80, s1, s7, $0xb8;
	[tilespmem:$0x12200] =	vst v63  }
0x3b: {  	_ =	swait.ge [sflag:s8], $0x10000  }
0x3c: {  	[sflag:s8] =	ssyncset.done $0x0  }
0x3d: {  	[sflag:s8] =	ssyncadd.s32 $0xFFFF0000  }
0x3e: {  	[hbm4b:s3+s1] =	stream.linear.scatter [tilespmem:s7], [sflag:$0x2], $0x10000, $0x38;
	[tilespmem:$0x12200] =	vst v63  }
0x3f: {  	_ =	swait.ge [sflag:s4], $0x10000  }
0x40: {  	[sflag:s4] =	ssyncset.done $0x0  }
0x41: {  	[sflag:s4] =	ssyncadd.s32 $0xFFFF0000  }
0x42: {  	_ =	sfence.sel $0x180000  }
0x43: {  	[bflag:$0x0] =	sbarrier.arrive $0xFFFF  }
0x44: {  	_ =	strace $0x90000047  }
0x45: {  	s0 =	sadd.s32 @!p0 $0x100000, s0;
	[bflag:$0x2] =	sbarrier.arrive $0xFFFF  }
0x46: {  	[sflag:s0] =	ssyncadd.tile.s32 @!p0 $0x1;
	_ =	shalt  }
.Lfunc_end2:
_tile_overlayer_lowered:
.L_overlay_start_2:
0x47: {  	(tag) =	ssettag $0x2  }
0x48: {  	s0 =	rddreg [dreg:$0x0];
	s2 =	stileid.u32  }
0x49: {  	s1 =	rddreg [dreg:$0x1];
	p0 =	sne.s32 s2, $0x0  }
0x4a: {  	s3 =	rddreg [dreg:$0x2];
	[bflag:$0x3] =	sbarrier.arrive $0xFFFF;
	s2 =	simm.s32 @!p0 $0x1C02  }
0x4b: {  	[timem:s3], [sflag:s2] =	dma.local @!p0 [hbm:s0], s1  }
0x4c: {  	s0 =	simm.s32 @!p0 $0x2  }
0x4d: {  	_ =	swait.ge @!p0 [sflag:s0], s1  }
0x4e: {  	s1 =	ssub.s32 @!p0 $0x0, s1;
	[sflag:s0] =	ssyncset.done @!p0 $0x0  }
0x4f: {  	[sflag:s0] =	ssyncadd.s32 @!p0 s1  }
0x50: {  	[bflag:$0x3] =	sbarrier.arrive $0xFFFF  }
0x51: {  	_ =	shalt  }

// kernel: kernel.13.cloned.1.call-start
scs
__scs_entry_jumppad:
0x0: {  	(pc) =	sbr.rel $0x88, $3  }
0x1: {  	(tag) =	ssettag $0x0;
	lr =	simm.s32 $0x1  }
0x2: {  	[smem:$0x3F97] =	sst lr;
	_ =	strace $0xD0000000  }
0x3: {  	_ = 	snop  }
0x4: {  	_ = 	snop  }
0x5: {  	_ = 	snop  }
0x6: {  	_ = 	snop  }
0x7: {  	_ = 	snop  }
__scs_overlays_trampoline_lowered:
0x8: {  	[smem:$0x3FA6] =	sst s0  }
0x9: {  	[smem:$0x3FA7] =	sst s1  }
0xa: {  	[smem:$0x3FA8] =	sst s2  }
0xb: {  	[smem:$0x3FA9] =	sst s3  }
0xc: {  	[smem:$0x3FAA] =	sst s4  }
0xd: {  	[smem:$0x3FAB] =	sst s5  }
0xe: {  	[smem:$0x3FAC] =	sst s6  }
0xf: {  	[smem:$0x3FAD] =	sst s7  }
0x10: {  	[smem:$0x3FAE] =	sst s8  }
0x11: {  	[smem:$0x3FAF] =	sst s9;
	s0 =	simm.s32 @!p0 $0x0  }
0x12: {  	s1 =	sld [smem:$0x3F95];
	s0 =	simm.s32 @p0 $0x1  }
0x13: {  	[smem:$0x3FB0] =	sst s0;
	s0 =	simm.s32 @!p1 $0x0  }
0x14: {  	s2 =	sld [smem:$0x3F94];
	s0 =	simm.s32 @p1 $0x1  }
0x15: {  	[smem:$0x3FB1] =	sst s0;
	s0 =	simm.s32 @!p2 $0x0  }
0x16: {  	s3 =	sld [smem:$0x3FDB];
	s0 =	simm.s32 @p2 $0x1  }
0x17: {  	s4 =	simm.s32 $0x1BF5;
	[smem:$0x3FB3] =	sst s0  }
0x18: {  	s0 =	sld [smem:$0x3F96];
	_ =	swait.ge [sflag:s4], $0x0  }
0x19: {  	s7 =	sld [smem:$0x3F97]  }
0x1a: {  	s8 =	sadd.s32 $0xFFFFE003, lr  }
0x1b: {  	s9 =	sadd.s32 $0xFFFFFEF7, lr;
	s5 =	simm.s32 $0xFFFFFFFF;
	p2 =	slt.u32 s8, $0xFFFFF086  }
0x1c: {  	p1 =	slt.u32 s9, $0xF7A;
	s5 =	simm.s32 @!p2 $0x0  }
0x1d: {  	s5 =	simm.s32 @p1 $0x1;
	p0 =	seq.s32 s7, s2  }
0x1e: {  	s7 =	smul.u32 @!p0 $0xF7A, s2;
	p2 =	seq.s32 @!p0 s5, $0x0  }
0x1f: {  	s9 =	smul.u32 $0xF7A, s1;
	s8 =	simm.s32 @!p0 $0x1BF5;
	p2 =	por !p2, p0  }
0x20: {  	[sflag:s8] =	ssyncset.s32 @!p0 $0xFFFFF086;
	s6 =	sadd.s32 @!p0 s3, s7;
	s7 =	simm.s32 @!p0 $0x108  }
0x21: {  	s3 =	sadd.s32 s3, s9;
	s6 =	sadd.s32 @!p0 $0x88, s6;
	s7 =	simm.s32 @p2 $0x1082  }
0x22: {  	[simem:s7], [sflag:s8] =	dma.local @!p0 [hbm:s6], $0xF7A  }
0x23: {  	s9 =	sor.u32 $0xD0000000, s2;
	s6 =	simm.s32 $0x108;
	_ =	swait.ge @!p0 [sflag:s8], $0x0  }
0x24: {  	s3 =	sadd.s32 $0x88, s3;
	s6 =	simm.s32 @!p1 $0x1082;
	[sflag:s4] =	ssyncset.s32 $0xFFFFF086  }
0x25: {  	[simem:s6], [sflag:s4] =	dma.local [hbm:s3], $0xF7A  }
0x26: {  	[smem:$0x3F97] =	sst s1;
	(tag) =	ssettag s2;
	_ =	strace s9  }
0x27: {  	s1 =	sld [smem:$0x3FA7]  }
0x28: {  	s2 =	sld [smem:$0x3FA8]  }
0x29: {  	s4 =	sld [smem:$0x3FAA]  }
0x2a: {  	p0 =	seq.s32 s5, $0x0;
	s5 =	sld [smem:$0x3FAB]  }
0x2b: {  	s6 =	sld [smem:$0x3FAC]  }
0x2c: {  	s7 =	sld [smem:$0x3FAD]  }
0x2d: {  	s3 =	simm.s32 $0x108;
	s8 =	sld [smem:$0x3FAE]  }
0x2e: {  	s3 =	simm.s32 @!p0 $0x1082;
	s9 =	sld [smem:$0x3FAF]  }
0x2f: {  	lr =	sadd.s32 s0, s3;
	s0 =	sld [smem:$0x3FA6]  }
0x30: {  	s3 =	sld [smem:$0x3FA9]  }
0x31: {  	[smem:$0x3FB2] =	sst s10  }
0x32: {  	s10 =	sld [smem:$0x3FB0];
	_ =	sdelay $0x3  }
0x33: {  	p0 =	seq.s32 s10, $0x1;
	s10 =	sld [smem:$0x3FB2];
	_ =	sdelay $0x3  }
0x34: {  	[smem:$0x3FB2] =	sst s10  }
0x35: {  	s10 =	sld [smem:$0x3FB1];
	_ =	sdelay $0x3  }
0x36: {  	p1 =	seq.s32 s10, $0x1;
	s10 =	sld [smem:$0x3FB2];
	_ =	sdelay $0x3  }
0x37: {  	[smem:$0x3FB2] =	sst s10  }
0x38: {  	s10 =	sld [smem:$0x3FB3]  }
0x39: {  	_ = 	snop;
	(pc) =	sbr.ind lr, $3  }
0x3a: {  	_ = 	snop  }
0x3b: {  	_ = 	snop  }
0x3c: {  	p2 =	seq.s32 s10, $0x1;
	s10 =	sld [smem:$0x3FB2]  }
0x3d: {  	_ =	shalt  }
0x3e: {  	_ =	shalt  }
0x3f: {  	_ =	shalt  }
0x40: {  	_ =	shalt  }
0x41: {  	_ =	shalt  }
0x42: {  	_ =	shalt  }
0x43: {  	_ =	shalt  }
0x44: {  	_ =	shalt  }
0x45: {  	_ =	shalt  }
0x46: {  	_ =	shalt  }
0x47: {  	_ =	shalt  }
0x48: {  	_ =	shalt  }
0x49: {  	_ =	shalt  }
0x4a: {  	_ =	shalt  }
0x4b: {  	_ =	shalt  }
0x4c: {  	_ =	shalt  }
0x4d: {  	_ =	shalt  }
0x4e: {  	_ =	shalt  }
0x4f: {  	_ =	shalt  }
0x50: {  	_ =	shalt  }
0x51: {  	_ =	shalt  }
0x52: {  	_ =	shalt  }
0x53: {  	_ =	shalt  }
0x54: {  	_ =	shalt  }
0x55: {  	_ =	shalt  }
0x56: {  	_ =	shalt  }
0x57: {  	_ =	shalt  }
0x58: {  	_ =	shalt  }
0x59: {  	_ =	shalt  }
0x5a: {  	_ =	shalt  }
0x5b: {  	_ =	shalt  }
0x5c: {  	_ =	shalt  }
0x5d: {  	_ =	shalt  }
0x5e: {  	_ =	shalt  }
0x5f: {  	_ =	shalt  }
0x60: {  	_ =	shalt  }
0x61: {  	_ =	shalt  }
0x62: {  	_ =	shalt  }
0x63: {  	_ =	shalt  }
0x64: {  	_ =	shalt  }
0x65: {  	_ =	shalt  }
0x66: {  	_ =	shalt  }
0x67: {  	_ =	shalt  }
0x68: {  	_ =	shalt  }
0x69: {  	_ =	shalt  }
0x6a: {  	_ =	shalt  }
0x6b: {  	_ =	shalt  }
0x6c: {  	_ =	shalt  }
0x6d: {  	_ =	shalt  }
0x6e: {  	_ =	shalt  }
0x6f: {  	_ =	shalt  }
0x70: {  	_ =	shalt  }
0x71: {  	_ =	shalt  }
0x72: {  	_ =	shalt  }
0x73: {  	_ =	shalt  }
0x74: {  	_ =	shalt  }
0x75: {  	_ =	shalt  }
0x76: {  	_ =	shalt  }
0x77: {  	_ =	shalt  }
0x78: {  	_ =	shalt  }
0x79: {  	_ =	shalt  }
0x7a: {  	_ =	shalt  }
0x7b: {  	_ =	shalt  }
0x7c: {  	_ =	shalt  }
0x7d: {  	_ =	shalt  }
0x7e: {  	_ =	shalt  }
0x7f: {  	_ =	shalt  }
0x80: {  	_ =	shalt  }
0x81: {  	_ =	shalt  }
0x82: {  	_ =	shalt  }
0x83: {  	_ =	shalt  }
0x84: {  	_ =	shalt  }
0x85: {  	_ =	shalt  }
0x86: {  	_ =	shalt  }
0x87: {  	_ =	shalt  }
.Lfunc_end0:
.L_simem_size_0:
called_computation.1_lowered:
.L_overlay_start_0:
0x88: {  	s2 =	sld [smem:$0x3FD9]  }
0x89: {  	s3 =	sld [smem:$0x3FFE];
	_ =	sdelay $0x1  }
0x8a: {  	s1 =	srdreg.scid  }
0x8b: {  	s0 =	sand.u32 $0x1, s1  }
0x8c: {  	s17 =	sshll.u32 s0, $0xA;
	s2 =	sadd.s32 s3, s2  }
0x8d: {  	s2 =	sadd.s32 s2, s17  }
0x8e: {  	[smem:$0x3FBE] =	sst s2  }
0x8f: {  	_ = 	snop  }
0x90: {  	(tm) =	ssettm $0x1  }
0x91: {  	s18 =	sld [smem:$0x3FFB];
	_ =	sdelay $0x3  }
0x92: {  	_ =	strace s18  }
0x93: {  	s2 =	sld [smem:$0x3FFC];
	_ =	sdelay $0x3  }
0x94: {  	_ =	strace s2  }
0x95: {  	s2 =	sld [smem:$0x3FFD];
	_ =	sdelay $0x3  }
0x96: {  	_ =	strace s2  }
0x97: {  	_ =	strace $0x8FFFFFFF  }
0x98: {  	s19 =	sld [smem:$0x3FDB];
	_ =	sdelay $0x1  }
0x99: {  	s20 =	simm.s32 $_scs_section_size  }
0x9a: {  	s4 =	simm.s32 $_size__tile_overlayer_lowered;
	s5 =	simm.s32 $_tile_overlayer_lowered  }
0x9b: {  	s6 =	simm.s32 $0x1BFF;
	s21 =	sshll.u32 s5, $0x1;
	s3 =	sadd.s32 s20, s19  }
0x9c: {  	s22 =	simm.s32 $0x0;
	s4 =	sshll.u32 s4, $0x1;
	s5 =	sadd.s32 s21, s3  }
0x9d: {  	[timem:s22], [sflag:s6] =	dma.local [hbm:s5], s4  }
0x9e: {  	_ =	swait.ge [sflag:s6], s4  }
0x9f: {  	s4 =	ssub.s32 $0x0, s4;
	[sflag:s6] =	ssyncset.done $0x0  }
0xa0: {  	[sflag:s6] =	ssyncadd.s32 s4;
	_ =	sdelay $0x1  }
0xa1: {  	s23 =	simm.s32 $0x1B8B  }
0xa2: {  	_ =	swait.ge [sflag:s23], $0x1  }
0xa3: {  	[sflag:s23] =	ssyncset.done $0x0  }
0xa4: {  	[sflag:s23] =	ssyncadd.s32 $0xFFFFFFFF  }
0xa5: {  	s4 =	sld [smem:$0x0]  }
0xa6: {  	s5 =	sand.u32 $0xFFFFFFFE, s1  }
0xa7: {  	p0 =	sne.s32 s1, s5  }
0xa8: {  	s5 =	sshll.u32 @p0 s5, $0xE  }
0xa9: {  	s5 =	sadd.s32 @p0 $0x11B8D, s5;
	s6 =	sshll.u32 @p0 s4, $0x11  }
0xaa: {  	s5 =	sor.u32 @p0 s6, s5  }
0xab: {  	[sflag:s5] =	ssyncadd.remote.s32 @p0 $0x1;
	_ =	sdelay $0x1  }
0xac: {  	s5 =	simm.s32 @p0 $0x1B8D  }
0xad: {  	_ =	swait.eq @p0 [sflag:s5], $0x1  }
0xae: {  	[sflag:s5] =	ssyncadd.s32 @p0 $0xFFFFFFFF  }
0xaf: {  	s6 =	sshll.u32 @!p0 s1, $0xE  }
0xb0: {  	s6 =	sor.u32 @!p0 $0x4000, s6;
	s5 =	simm.s32 @!p0 $0x1B8D  }
0xb1: {  	s4 =	sshll.u32 @!p0 s4, $0x11;
	s6 =	sadd.s32 @!p0 $0x11B8D, s6;
	_ =	swait.eq @!p0 [sflag:s5], $0x1  }
0xb2: {  	s4 =	sor.u32 @!p0 s4, s6;
	[sflag:s5] =	ssyncadd.s32 @!p0 $0xFFFFFFFF  }
0xb3: {  	s25 =	simm.s32 $0x1B8E;
	s24 =	sld [smem:$0x3FFE];
	[sflag:s4] =	ssyncadd.remote.s32 @!p0 $0x1  }
0xb4: {  	s26 =	simm.s32 $execute0_lowered;
	[smem:$0x3FD2] =	sst s25  }
0xb5: {  	s5 =	sshll.u32 s26, $0x1;
	_ =	strace $0x8000004C;
	[dreg:$0x1] =	wrdreg $0xFFFFFFFF  }
0xb6: {  	s28 =	simm.s32 $_size_execute0_lowered;
	s3 =	sadd.s32 s3, s5;
	[dreg:$0x0] =	wrdreg $0x0  }
0xb7: {  	s5 =	sshll.u32 s28, $0x1;
	[dreg:$0x2] =	wrdreg s3  }
0xb8: {  	[dreg:$0x3] =	wrdreg s5  }
0xb9: {  	[dreg:$0x4] =	wrdreg $0xC0  }
0xba: {  	_ =	task [dreg:s22], $0x5FFFF  }
0xbb: {  	[dreg:$0x1] =	wrdreg $0xFFFFFFFF  }
0xbc: {  	[dreg:$0x0] =	wrdreg $0x60  }
0xbd: {  	[dreg:$0x2] =	wrdreg s24  }
0xbe: {  	[dreg:$0x3] =	wrdreg $0x102000  }
0xbf: {  	[dreg:$0x4] =	wrdreg $0xA  }
0xc0: {  	_ =	task.clear_ibuf [dreg:s22], $0x5FFFF;
	_ =	strace $0x9000004C  }
0xc1: {  	s29 =	simm.s32 $0xA;
	_ =	strace $0x8000004E  }
0xc2: {  	_ =	swait.ge [sflag:s29], $0x1  }
0xc3: {  	[sflag:s29] =	ssyncadd.s32 $0xFFFFFFFF  }
0xc4: {  	_ =	strace $0x9000004E  }
0xc5: {  	_ =	sfence  }
0xc6: {  	s30 =	sld [smem:$0x0];
	_ =	sdelay $0x2  }
0xc7: {  	s31 =	sshll.u32 s1, $0xD;
	s1 =	sshrl.u32 s1, $0x2  }
0xc8: {  	s4 =	sand.u32 $0x4000, s31;
	s1 =	sadd.s32 s1, s30  }
0xc9: {  	s0 =	sor.u32 s4, s0;
	s1 =	sshll.u32 s1, $0x11  }
0xca: {  	s0 =	sor.u32 s1, s0  }
0xcb: {  	s0 =	sadd.s32 $0x8F2B, s0  }
0xcc: {  	[sflag:s0] =	ssyncadd.remote.s32 $0x1  }
0xcd: {  	_ =	sfence.sel $0xFFFF  }
0xce: {  	[dreg:$0x0] =	wrdreg $0xFFFFFFFF;
	(pc) =	sbr.abs _section_cstart, $3  }
0xcf: {  	[dreg:$0x1] =	wrdreg $0xFFFFFFFF  }
0xd0: {  	_ =	task.clear_ibuf [dreg:s22], $0x2FFFF;
	_ =	strace $0x9FFFFFFF  }
0xd1: {  	(tm) =	ssettm $0x7FFFFFFF  }
tec
execute0_lowered:
.L_overlay_start_1:
0x0: {  	(tag) =	ssettag $0x1  }
0x1: {  	s4 =	srdreg.scid  }
0x2: {  	s4 =	sand.u32 $0x1, s4  }
0x3: {  	s6 =	sshll.u32 s4, $0x9;
	s4 =	ssub.s32 $0x2, s4  }
0x4: {  	s3 =	rddreg [dreg:$0x0];
	s9 =	sshrl.u32 s4, $0x1  }
0x5: {  	s2 =	rddreg [dreg:$0x1];
	s4 =	ssub.s32 s4, s9  }
0x6: {  	s0 =	rddreg [dreg:$0x2];
	s1 =	simm.s32 $0x0;
	s4 =	smax.u32 s4, $0x1  }
0x7: {  	s7 =	stileid.u32;
	p1 =	por $0x0, $0x0;
	s12 =	sadd.s32 $0xFFFFFFFF, s4  }
0x8: {  	[smem:$0x7FF] =	sst s1;
	s5 =	sshll.u32 s7, $0xA;
	p2 =	sne.s32 s12, $0x0  }
.Ltmp0:
0x9: {  	p0 =	sne.s32 s7, $0x0;
	s6 =	sor.u32 s6, s5;
	(pc) =	sbr.rel @!p2 .LBB2_3-.Ltmp0, $4  }
0xa: {  	s7 =	simm.s32 $0x200;
	_ =	strace $0x8000004D;
	s8 =	sshrl.u32 s6, $0x3  }
0xb: {  	s5 =	sadd.s32 $0x4200, s3;
	s6 =	sshll.u32 s6, $0x4;
	s8 =	sadd.s32 s8, s3  }
0xc: {  	s9 =	sshrl.u32 @!p0 s2, $0x3;
	s3 =	sadd.s32 s6, s3;
	s6 =	sadd.s32 $0x89200, s8  }
0xd: {  	s3 =	sadd.s32 $0x89A00, s3;
	s4 =	simm.s32 $0x2;
	s8 =	simm.s32 $0x1  }
0xe: {  	s10 =	simm.s32 @!p0 $0x1C02;
	s11 =	simm.s32 @!p0 $0x2  }
0xf: {  	[spmem:s9], [sflag:s10] =	dma.local @!p0 [hbm:s5], $0x4000  }
0x10: {  	_ =	swait.ge @!p0 [sflag:s11], $0x4000  }
0x11: {  	[sflag:s11] =	ssyncset.done @!p0 $0x0  }
0x12: {  	[sflag:s11] =	ssyncadd.s32 @!p0 $0xFFFFC000  }
0x13: {  	[bflag:$0x0] =	sbarrier.arrive $0xFFFF  }
0x14: {  	[tilespmem:s1], [sflag:$0x2] =	stream.linear.gather [hbm4b:s6+s1], $0x200, $0x38;
	[tilespmem:$0x12200] =	vst v63  }
0x15: {  	_ =	swait.ge [sflag:s4], $0x200  }
0x16: {  	[sflag:s4] =	ssyncset.done $0x0  }
0x17: {  	s12 =	sadd.s32 $0xFFFFFFFF, s12;
	[sflag:s4] =	ssyncadd.s32 $0xFFFFFE00  }
0x18: {  	[tilespmem:s7], [sflag:$0x1] =	stream.indirect.gather [spmem:s2], $0x80, s1, s7, $0xb8;
	[tilespmem:$0x12200] =	vst v63  }
0x19: {  	p2 =	sne.s32 s12, $0x0;
	_ =	swait.ge [sflag:s8], $0x10000  }
.Ltmp1:
0x1a: {  	[sflag:s8] =	ssyncset.done $0x0;
	(pc) =	sbr.rel @!p2 .LBB2_3-.Ltmp1, $4  }
0x1b: {  	[sflag:s8] =	ssyncadd.s32 $0xFFFF0000  }
0x1c: {  	[hbm4b:s3+s1] =	stream.linear.scatter [tilespmem:s7], [sflag:$0x2], $0x10000, $0x38;
	[tilespmem:$0x12200] =	vst v63  }
0x1d: {  	_ =	swait.ge [sflag:s4], $0x10000  }
0x1e: {  	p1 =	por $0x1, $0x1;
	[sflag:s4] =	ssyncset.done $0x0  }
.LBB2_2:
0x1f: {  	[sflag:s4] =	ssyncadd.s32 $0xFFFF0000  }
0x20: {  	[spmem:s9], [sflag:s10] =	dma.local @!p0 [hbm:s5], $0x4000  }
0x21: {  	s12 =	sadd.s32 $0xFFFFFFFF, s12;
	_ =	swait.ge @!p0 [sflag:s11], $0x4000  }
0x22: {  	p2 =	sne.s32 s12, $0x0;
	[sflag:s11] =	ssyncset.done @!p0 $0x0  }
0x23: {  	[sflag:s11] =	ssyncadd.s32 @!p0 $0xFFFFC000  }
0x24: {  	[bflag:$0x0] =	sbarrier.arrive $0xFFFF  }
0x25: {  	[tilespmem:s1], [sflag:$0x2] =	stream.linear.gather [hbm4b:s6+s1], $0x200, $0x38;
	[tilespmem:$0x12200] =	vst v63  }
0x26: {  	_ =	swait.ge [sflag:s4], $0x200  }
0x27: {  	[sflag:s4] =	ssyncset.done $0x0  }
0x28: {  	[sflag:s4] =	ssyncadd.s32 $0xFFFFFE00  }
0x29: {  	[tilespmem:s7], [sflag:$0x1] =	stream.indirect.gather [spmem:s2], $0x80, s1, s7, $0xb8;
	[tilespmem:$0x12200] =	vst v63  }
0x2a: {  	_ =	swait.ge [sflag:s8], $0x10000  }
.Ltmp2:
0x2b: {  	[sflag:s8] =	ssyncset.done $0x0;
	(pc) =	sbr.rel @p2 .LBB2_2-.Ltmp2, $4  }
0x2c: {  	[sflag:s8] =	ssyncadd.s32 $0xFFFF0000  }
0x2d: {  	[hbm4b:s3+s1] =	stream.linear.scatter [tilespmem:s7], [sflag:$0x2], $0x10000, $0x38;
	[tilespmem:$0x12200] =	vst v63  }
0x2e: {  	_ =	swait.ge [sflag:s4], $0x10000  }
0x2f: {  	[sflag:s4] =	ssyncset.done $0x0  }
.LBB2_3:
0x30: {  	s10 =	simm.s32 @!p0 $0x1C02;
	s11 =	simm.s32 @!p0 $0x2;
	[sflag:s4] =	ssyncadd.s32 @p1 $0xFFFF0000  }
0x31: {  	[spmem:s9], [sflag:s10] =	dma.local @!p0 [hbm:s5], $0x4000  }
0x32: {  	_ =	swait.ge @!p0 [sflag:s11], $0x4000  }
0x33: {  	[sflag:s11] =	ssyncset.done @!p0 $0x0  }
0x34: {  	[sflag:s11] =	ssyncadd.s32 @!p0 $0xFFFFC000  }
0x35: {  	[bflag:$0x0] =	sbarrier.arrive $0xFFFF  }
0x36: {  	[tilespmem:s1], [sflag:$0x2] =	stream.linear.gather [hbm4b:s6+s1], $0x200, $0x38;
	[tilespmem:$0x12200] =	vst v63  }
0x37: {  	_ =	swait.ge [sflag:s4], $0x200  }
0x38: {  	[sflag:s4] =	ssyncset.done $0x0  }
0x39: {  	[sflag:s4] =	ssyncadd.s32 $0xFFFFFE00  }
0x3a: {  	[tilespmem:s7], [sflag:$0x1] =	stream.indirect.gather [spmem:s2], $0x80, s1, s7, $0xb8;
	[tilespmem:$0x12200] =	vst v63  }
0x3b: {  	_ =	swait.ge [sflag:s8], $0x10000  }
0x3c: {  	[sflag:s8] =	ssyncset.done $0x0  }
0x3d: {  	[sflag:s8] =	ssyncadd.s32 $0xFFFF0000  }
0x3e: {  	[hbm4b:s3+s1] =	stream.linear.scatter [tilespmem:s7], [sflag:$0x2], $0x10000, $0x38;
	[tilespmem:$0x12200] =	vst v63  }
0x3f: {  	_ =	swait.ge [sflag:s4], $0x10000  }
0x40: {  	[sflag:s4] =	ssyncset.done $0x0  }
0x41: {  	[sflag:s4] =	ssyncadd.s32 $0xFFFF0000  }
0x42: {  	_ =	sfence.sel $0x180000  }
0x43: {  	[bflag:$0x0] =	sbarrier.arrive $0xFFFF  }
0x44: {  	_ =	strace $0x9000004D  }
0x45: {  	s0 =	sadd.s32 @!p0 $0x100000, s0;
	[bflag:$0x2] =	sbarrier.arrive $0xFFFF  }
0x46: {  	[sflag:s0] =	ssyncadd.tile.s32 @!p0 $0x1;
	_ =	shalt  }
.Lfunc_end2:
_tile_overlayer_lowered:
.L_overlay_start_2:
0x47: {  	(tag) =	ssettag $0x2  }
0x48: {  	s0 =	rddreg [dreg:$0x0];
	s2 =	stileid.u32  }
0x49: {  	s1 =	rddreg [dreg:$0x1];
	p0 =	sne.s32 s2, $0x0  }
0x4a: {  	s3 =	rddreg [dreg:$0x2];
	[bflag:$0x3] =	sbarrier.arrive $0xFFFF;
	s2 =	simm.s32 @!p0 $0x1C02  }
0x4b: {  	[timem:s3], [sflag:s2] =	dma.local @!p0 [hbm:s0], s1  }
0x4c: {  	s0 =	simm.s32 @!p0 $0x2  }
0x4d: {  	_ =	swait.ge @!p0 [sflag:s0], s1  }
0x4e: {  	s1 =	ssub.s32 @!p0 $0x0, s1;
	[sflag:s0] =	ssyncset.done @!p0 $0x0  }
0x4f: {  	[sflag:s0] =	ssyncadd.s32 @!p0 s1  }
0x50: {  	[bflag:$0x3] =	sbarrier.arrive $0xFFFF  }
0x51: {  	_ =	shalt  }

// kernel: kernel.16.cloned.1.call-start
scs
__scs_entry_jumppad:
0x0: {  	(pc) =	sbr.rel $0x88, $3  }
0x1: {  	(tag) =	ssettag $0x0;
	lr =	simm.s32 $0x1  }
0x2: {  	[smem:$0x3F97] =	sst lr;
	_ =	strace $0xD0000000  }
0x3: {  	_ = 	snop  }
0x4: {  	_ = 	snop  }
0x5: {  	_ = 	snop  }
0x6: {  	_ = 	snop  }
0x7: {  	_ = 	snop  }
__scs_overlays_trampoline_lowered:
0x8: {  	[smem:$0x3FA6] =	sst s0  }
0x9: {  	[smem:$0x3FA7] =	sst s1  }
0xa: {  	[smem:$0x3FA8] =	sst s2  }
0xb: {  	[smem:$0x3FA9] =	sst s3  }
0xc: {  	[smem:$0x3FAA] =	sst s4  }
0xd: {  	[smem:$0x3FAB] =	sst s5  }
0xe: {  	[smem:$0x3FAC] =	sst s6  }
0xf: {  	[smem:$0x3FAD] =	sst s7  }
0x10: {  	[smem:$0x3FAE] =	sst s8  }
0x11: {  	[smem:$0x3FAF] =	sst s9;
	s0 =	simm.s32 @!p0 $0x0  }
0x12: {  	s1 =	sld [smem:$0x3F95];
	s0 =	simm.s32 @p0 $0x1  }
0x13: {  	[smem:$0x3FB0] =	sst s0;
	s0 =	simm.s32 @!p1 $0x0  }
0x14: {  	s2 =	sld [smem:$0x3F94];
	s0 =	simm.s32 @p1 $0x1  }
0x15: {  	[smem:$0x3FB1] =	sst s0;
	s0 =	simm.s32 @!p2 $0x0  }
0x16: {  	s3 =	sld [smem:$0x3FDB];
	s0 =	simm.s32 @p2 $0x1  }
0x17: {  	s4 =	simm.s32 $0x1BF5;
	[smem:$0x3FB3] =	sst s0  }
0x18: {  	s0 =	sld [smem:$0x3F96];
	_ =	swait.ge [sflag:s4], $0x0  }
0x19: {  	s7 =	sld [smem:$0x3F97]  }
0x1a: {  	s8 =	sadd.s32 $0xFFFFE003, lr  }
0x1b: {  	s9 =	sadd.s32 $0xFFFFFEF7, lr;
	s5 =	simm.s32 $0xFFFFFFFF;
	p2 =	slt.u32 s8, $0xFFFFF086  }
0x1c: {  	p1 =	slt.u32 s9, $0xF7A;
	s5 =	simm.s32 @!p2 $0x0  }
0x1d: {  	s5 =	simm.s32 @p1 $0x1;
	p0 =	seq.s32 s7, s2  }
0x1e: {  	s7 =	smul.u32 @!p0 $0xF7A, s2;
	p2 =	seq.s32 @!p0 s5, $0x0  }
0x1f: {  	s9 =	smul.u32 $0xF7A, s1;
	s8 =	simm.s32 @!p0 $0x1BF5;
	p2 =	por !p2, p0  }
0x20: {  	[sflag:s8] =	ssyncset.s32 @!p0 $0xFFFFF086;
	s6 =	sadd.s32 @!p0 s3, s7;
	s7 =	simm.s32 @!p0 $0x108  }
0x21: {  	s3 =	sadd.s32 s3, s9;
	s6 =	sadd.s32 @!p0 $0x88, s6;
	s7 =	simm.s32 @p2 $0x1082  }
0x22: {  	[simem:s7], [sflag:s8] =	dma.local @!p0 [hbm:s6], $0xF7A  }
0x23: {  	s9 =	sor.u32 $0xD0000000, s2;
	s6 =	simm.s32 $0x108;
	_ =	swait.ge @!p0 [sflag:s8], $0x0  }
0x24: {  	s3 =	sadd.s32 $0x88, s3;
	s6 =	simm.s32 @!p1 $0x1082;
	[sflag:s4] =	ssyncset.s32 $0xFFFFF086  }
0x25: {  	[simem:s6], [sflag:s4] =	dma.local [hbm:s3], $0xF7A  }
0x26: {  	[smem:$0x3F97] =	sst s1;
	(tag) =	ssettag s2;
	_ =	strace s9  }
0x27: {  	s1 =	sld [smem:$0x3FA7]  }
0x28: {  	s2 =	sld [smem:$0x3FA8]  }
0x29: {  	s4 =	sld [smem:$0x3FAA]  }
0x2a: {  	p0 =	seq.s32 s5, $0x0;
	s5 =	sld [smem:$0x3FAB]  }
0x2b: {  	s6 =	sld [smem:$0x3FAC]  }
0x2c: {  	s7 =	sld [smem:$0x3FAD]  }
0x2d: {  	s3 =	simm.s32 $0x108;
	s8 =	sld [smem:$0x3FAE]  }
0x2e: {  	s3 =	simm.s32 @!p0 $0x1082;
	s9 =	sld [smem:$0x3FAF]  }
0x2f: {  	lr =	sadd.s32 s0, s3;
	s0 =	sld [smem:$0x3FA6]  }
0x30: {  	s3 =	sld [smem:$0x3FA9]  }
0x31: {  	[smem:$0x3FB2] =	sst s10  }
0x32: {  	s10 =	sld [smem:$0x3FB0];
	_ =	sdelay $0x3  }
0x33: {  	p0 =	seq.s32 s10, $0x1;
	s10 =	sld [smem:$0x3FB2];
	_ =	sdelay $0x3  }
0x34: {  	[smem:$0x3FB2] =	sst s10  }
0x35: {  	s10 =	sld [smem:$0x3FB1];
	_ =	sdelay $0x3  }
0x36: {  	p1 =	seq.s32 s10, $0x1;
	s10 =	sld [smem:$0x3FB2];
	_ =	sdelay $0x3  }
0x37: {  	[smem:$0x3FB2] =	sst s10  }
0x38: {  	s10 =	sld [smem:$0x3FB3]  }
0x39: {  	_ = 	snop;
	(pc) =	sbr.ind lr, $3  }
0x3a: {  	_ = 	snop  }
0x3b: {  	_ = 	snop  }
0x3c: {  	p2 =	seq.s32 s10, $0x1;
	s10 =	sld [smem:$0x3FB2]  }
0x3d: {  	_ =	shalt  }
0x3e: {  	_ =	shalt  }
0x3f: {  	_ =	shalt  }
0x40: {  	_ =	shalt  }
0x41: {  	_ =	shalt  }
0x42: {  	_ =	shalt  }
0x43: {  	_ =	shalt  }
0x44: {  	_ =	shalt  }
0x45: {  	_ =	shalt  }
0x46: {  	_ =	shalt  }
0x47: {  	_ =	shalt  }
0x48: {  	_ =	shalt  }
0x49: {  	_ =	shalt  }
0x4a: {  	_ =	shalt  }
0x4b: {  	_ =	shalt  }
0x4c: {  	_ =	shalt  }
0x4d: {  	_ =	shalt  }
0x4e: {  	_ =	shalt  }
0x4f: {  	_ =	shalt  }
0x50: {  	_ =	shalt  }
0x51: {  	_ =	shalt  }
0x52: {  	_ =	shalt  }
0x53: {  	_ =	shalt  }
0x54: {  	_ =	shalt  }
0x55: {  	_ =	shalt  }
0x56: {  	_ =	shalt  }
0x57: {  	_ =	shalt  }
0x58: {  	_ =	shalt  }
0x59: {  	_ =	shalt  }
0x5a: {  	_ =	shalt  }
0x5b: {  	_ =	shalt  }
0x5c: {  	_ =	shalt  }
0x5d: {  	_ =	shalt  }
0x5e: {  	_ =	shalt  }
0x5f: {  	_ =	shalt  }
0x60: {  	_ =	shalt  }
0x61: {  	_ =	shalt  }
0x62: {  	_ =	shalt  }
0x63: {  	_ =	shalt  }
0x64: {  	_ =	shalt  }
0x65: {  	_ =	shalt  }
0x66: {  	_ =	shalt  }
0x67: {  	_ =	shalt  }
0x68: {  	_ =	shalt  }
0x69: {  	_ =	shalt  }
0x6a: {  	_ =	shalt  }
0x6b: {  	_ =	shalt  }
0x6c: {  	_ =	shalt  }
0x6d: {  	_ =	shalt  }
0x6e: {  	_ =	shalt  }
0x6f: {  	_ =	shalt  }
0x70: {  	_ =	shalt  }
0x71: {  	_ =	shalt  }
0x72: {  	_ =	shalt  }
0x73: {  	_ =	shalt  }
0x74: {  	_ =	shalt  }
0x75: {  	_ =	shalt  }
0x76: {  	_ =	shalt  }
0x77: {  	_ =	shalt  }
0x78: {  	_ =	shalt  }
0x79: {  	_ =	shalt  }
0x7a: {  	_ =	shalt  }
0x7b: {  	_ =	shalt  }
0x7c: {  	_ =	shalt  }
0x7d: {  	_ =	shalt  }
0x7e: {  	_ =	shalt  }
0x7f: {  	_ =	shalt  }
0x80: {  	_ =	shalt  }
0x81: {  	_ =	shalt  }
0x82: {  	_ =	shalt  }
0x83: {  	_ =	shalt  }
0x84: {  	_ =	shalt  }
0x85: {  	_ =	shalt  }
0x86: {  	_ =	shalt  }
0x87: {  	_ =	shalt  }
.Lfunc_end0:
.L_simem_size_0:
called_computation.2_lowered:
.L_overlay_start_0:
0x88: {  	s2 =	sld [smem:$0x3FD9]  }
0x89: {  	s3 =	sld [smem:$0x3FFE];
	_ =	sdelay $0x1  }
0x8a: {  	s1 =	srdreg.scid  }
0x8b: {  	s0 =	sand.u32 $0x1, s1  }
0x8c: {  	s17 =	sshll.u32 s0, $0xA;
	s2 =	sadd.s32 s3, s2  }
0x8d: {  	s2 =	sadd.s32 s2, s17  }
0x8e: {  	[smem:$0x3FBE] =	sst s2  }
0x8f: {  	_ = 	snop  }
0x90: {  	(tm) =	ssettm $0x1  }
0x91: {  	s18 =	sld [smem:$0x3FFB];
	_ =	sdelay $0x3  }
0x92: {  	_ =	strace s18  }
0x93: {  	s2 =	sld [smem:$0x3FFC];
	_ =	sdelay $0x3  }
0x94: {  	_ =	strace s2  }
0x95: {  	s2 =	sld [smem:$0x3FFD];
	_ =	sdelay $0x3  }
0x96: {  	_ =	strace s2  }
0x97: {  	_ =	strace $0x8FFFFFFF  }
0x98: {  	s19 =	sld [smem:$0x3FDB];
	_ =	sdelay $0x1  }
0x99: {  	s20 =	simm.s32 $_scs_section_size  }
0x9a: {  	s4 =	simm.s32 $_size__tile_overlayer_lowered;
	s5 =	simm.s32 $_tile_overlayer_lowered  }
0x9b: {  	s6 =	simm.s32 $0x1BFF;
	s21 =	sshll.u32 s5, $0x1;
	s3 =	sadd.s32 s20, s19  }
0x9c: {  	s22 =	simm.s32 $0x0;
	s4 =	sshll.u32 s4, $0x1;
	s5 =	sadd.s32 s21, s3  }
0x9d: {  	[timem:s22], [sflag:s6] =	dma.local [hbm:s5], s4  }
0x9e: {  	_ =	swait.ge [sflag:s6], s4  }
0x9f: {  	s4 =	ssub.s32 $0x0, s4;
	[sflag:s6] =	ssyncset.done $0x0  }
0xa0: {  	[sflag:s6] =	ssyncadd.s32 s4;
	_ =	sdelay $0x1  }
0xa1: {  	s23 =	simm.s32 $0x1B8B  }
0xa2: {  	_ =	swait.ge [sflag:s23], $0x1  }
0xa3: {  	[sflag:s23] =	ssyncset.done $0x0  }
0xa4: {  	[sflag:s23] =	ssyncadd.s32 $0xFFFFFFFF  }
0xa5: {  	s4 =	sld [smem:$0x0]  }
0xa6: {  	s5 =	sand.u32 $0xFFFFFFFE, s1  }
0xa7: {  	p0 =	sne.s32 s1, s5  }
0xa8: {  	s5 =	sshll.u32 @p0 s5, $0xE  }
0xa9: {  	s5 =	sadd.s32 @p0 $0x11B8D, s5;
	s6 =	sshll.u32 @p0 s4, $0x11  }
0xaa: {  	s5 =	sor.u32 @p0 s6, s5  }
0xab: {  	[sflag:s5] =	ssyncadd.remote.s32 @p0 $0x1;
	_ =	sdelay $0x1  }
0xac: {  	s5 =	simm.s32 @p0 $0x1B8D  }
0xad: {  	_ =	swait.eq @p0 [sflag:s5], $0x1  }
0xae: {  	[sflag:s5] =	ssyncadd.s32 @p0 $0xFFFFFFFF  }
0xaf: {  	s6 =	sshll.u32 @!p0 s1, $0xE  }
0xb0: {  	s6 =	sor.u32 @!p0 $0x4000, s6;
	s5 =	simm.s32 @!p0 $0x1B8D  }
0xb1: {  	s4 =	sshll.u32 @!p0 s4, $0x11;
	s6 =	sadd.s32 @!p0 $0x11B8D, s6;
	_ =	swait.eq @!p0 [sflag:s5], $0x1  }
0xb2: {  	s4 =	sor.u32 @!p0 s4, s6;
	[sflag:s5] =	ssyncadd.s32 @!p0 $0xFFFFFFFF  }
0xb3: {  	s25 =	simm.s32 $0x1B8E;
	s24 =	sld [smem:$0x3FFE];
	[sflag:s4] =	ssyncadd.remote.s32 @!p0 $0x1  }
0xb4: {  	s26 =	simm.s32 $execute0_lowered;
	[smem:$0x3FD2] =	sst s25  }
0xb5: {  	s5 =	sshll.u32 s26, $0x1;
	_ =	strace $0x8000004F;
	[dreg:$0x1] =	wrdreg $0xFFFFFFFF  }
0xb6: {  	s28 =	simm.s32 $_size_execute0_lowered;
	s3 =	sadd.s32 s3, s5;
	[dreg:$0x0] =	wrdreg $0x0  }
0xb7: {  	s5 =	sshll.u32 s28, $0x1;
	[dreg:$0x2] =	wrdreg s3  }
0xb8: {  	[dreg:$0x3] =	wrdreg s5  }
0xb9: {  	[dreg:$0x4] =	wrdreg $0xC0  }
0xba: {  	_ =	task [dreg:s22], $0x5FFFF  }
0xbb: {  	[dreg:$0x1] =	wrdreg $0xFFFFFFFF  }
0xbc: {  	[dreg:$0x0] =	wrdreg $0x60  }
0xbd: {  	[dreg:$0x2] =	wrdreg s24  }
0xbe: {  	[dreg:$0x3] =	wrdreg $0x102000  }
0xbf: {  	[dreg:$0x4] =	wrdreg $0xB  }
0xc0: {  	_ =	task.clear_ibuf [dreg:s22], $0x5FFFF;
	_ =	strace $0x9000004F  }
0xc1: {  	s29 =	simm.s32 $0xB;
	_ =	strace $0x80000051  }
0xc2: {  	_ =	swait.ge [sflag:s29], $0x1  }
0xc3: {  	[sflag:s29] =	ssyncadd.s32 $0xFFFFFFFF  }
0xc4: {  	_ =	strace $0x90000051  }
0xc5: {  	_ =	sfence  }
0xc6: {  	s30 =	sld [smem:$0x0];
	_ =	sdelay $0x2  }
0xc7: {  	s31 =	sshll.u32 s1, $0xD;
	s1 =	sshrl.u32 s1, $0x2  }
0xc8: {  	s4 =	sand.u32 $0x4000, s31;
	s1 =	sadd.s32 s1, s30  }
0xc9: {  	s0 =	sor.u32 s4, s0;
	s1 =	sshll.u32 s1, $0x11  }
0xca: {  	s0 =	sor.u32 s1, s0  }
0xcb: {  	s0 =	sadd.s32 $0x8F2B, s0  }
0xcc: {  	[sflag:s0] =	ssyncadd.remote.s32 $0x1  }
0xcd: {  	_ =	sfence.sel $0xFFFF  }
0xce: {  	[dreg:$0x0] =	wrdreg $0xFFFFFFFF;
	(pc) =	sbr.abs _section_cstart, $3  }
0xcf: {  	[dreg:$0x1] =	wrdreg $0xFFFFFFFF  }
0xd0: {  	_ =	task.clear_ibuf [dreg:s22], $0x2FFFF;
	_ =	strace $0x9FFFFFFF  }
0xd1: {  	(tm) =	ssettm $0x7FFFFFFF  }
tec
execute0_lowered:
.L_overlay_start_1:
0x0: {  	(tag) =	ssettag $0x1  }
0x1: {  	s4 =	srdreg.scid  }
0x2: {  	s4 =	sand.u32 $0x1, s4  }
0x3: {  	s6 =	sshll.u32 s4, $0x9;
	s4 =	ssub.s32 $0x2, s4  }
0x4: {  	s3 =	rddreg [dreg:$0x0];
	s9 =	sshrl.u32 s4, $0x1  }
0x5: {  	s2 =	rddreg [dreg:$0x1];
	s4 =	ssub.s32 s4, s9  }
0x6: {  	s0 =	rddreg [dreg:$0x2];
	s1 =	simm.s32 $0x0;
	s4 =	smax.u32 s4, $0x1  }
0x7: {  	s7 =	stileid.u32;
	p1 =	por $0x0, $0x0;
	s12 =	sadd.s32 $0xFFFFFFFF, s4  }
0x8: {  	[smem:$0x7FF] =	sst s1;
	s5 =	sshll.u32 s7, $0xA;
	p2 =	sne.s32 s12, $0x0  }
.Ltmp0:
0x9: {  	p0 =	sne.s32 s7, $0x0;
	s6 =	sor.u32 s6, s5;
	(pc) =	sbr.rel @!p2 .LBB2_3-.Ltmp0, $4  }
0xa: {  	s7 =	simm.s32 $0x200;
	_ =	strace $0x80000050;
	s8 =	sshrl.u32 s6, $0x3  }
0xb: {  	s5 =	sadd.s32 $0x4200, s3;
	s6 =	sshll.u32 s6, $0x4;
	s8 =	sadd.s32 s8, s3  }
0xc: {  	s9 =	sshrl.u32 @!p0 s2, $0x3;
	s3 =	sadd.s32 s6, s3;
	s6 =	sadd.s32 $0xC9A00, s8  }
0xd: {  	s3 =	sadd.s32 $0xCA200, s3;
	s4 =	simm.s32 $0x2;
	s8 =	simm.s32 $0x1  }
0xe: {  	s10 =	simm.s32 @!p0 $0x1C02;
	s11 =	simm.s32 @!p0 $0x2  }
0xf: {  	[spmem:s9], [sflag:s10] =	dma.local @!p0 [hbm:s5], $0x4000  }
0x10: {  	_ =	swait.ge @!p0 [sflag:s11], $0x4000  }
0x11: {  	[sflag:s11] =	ssyncset.done @!p0 $0x0  }
0x12: {  	[sflag:s11] =	ssyncadd.s32 @!p0 $0xFFFFC000  }
0x13: {  	[bflag:$0x0] =	sbarrier.arrive $0xFFFF  }
0x14: {  	[tilespmem:s1], [sflag:$0x2] =	stream.linear.gather [hbm4b:s6+s1], $0x200, $0x38;
	[tilespmem:$0x12200] =	vst v63  }
0x15: {  	_ =	swait.ge [sflag:s4], $0x200  }
0x16: {  	[sflag:s4] =	ssyncset.done $0x0  }
0x17: {  	s12 =	sadd.s32 $0xFFFFFFFF, s12;
	[sflag:s4] =	ssyncadd.s32 $0xFFFFFE00  }
0x18: {  	[tilespmem:s7], [sflag:$0x1] =	stream.indirect.gather [spmem:s2], $0x80, s1, s7, $0xb8;
	[tilespmem:$0x12200] =	vst v63  }
0x19: {  	p2 =	sne.s32 s12, $0x0;
	_ =	swait.ge [sflag:s8], $0x10000  }
.Ltmp1:
0x1a: {  	[sflag:s8] =	ssyncset.done $0x0;
	(pc) =	sbr.rel @!p2 .LBB2_3-.Ltmp1, $4  }
0x1b: {  	[sflag:s8] =	ssyncadd.s32 $0xFFFF0000  }
0x1c: {  	[hbm4b:s3+s1] =	stream.linear.scatter [tilespmem:s7], [sflag:$0x2], $0x10000, $0x38;
	[tilespmem:$0x12200] =	vst v63  }
0x1d: {  	_ =	swait.ge [sflag:s4], $0x10000  }
0x1e: {  	p1 =	por $0x1, $0x1;
	[sflag:s4] =	ssyncset.done $0x0  }
.LBB2_2:
0x1f: {  	[sflag:s4] =	ssyncadd.s32 $0xFFFF0000  }
0x20: {  	[spmem:s9], [sflag:s10] =	dma.local @!p0 [hbm:s5], $0x4000  }
0x21: {  	s12 =	sadd.s32 $0xFFFFFFFF, s12;
	_ =	swait.ge @!p0 [sflag:s11], $0x4000  }
0x22: {  	p2 =	sne.s32 s12, $0x0;
	[sflag:s11] =	ssyncset.done @!p0 $0x0  }
0x23: {  	[sflag:s11] =	ssyncadd.s32 @!p0 $0xFFFFC000  }
0x24: {  	[bflag:$0x0] =	sbarrier.arrive $0xFFFF  }
0x25: {  	[tilespmem:s1], [sflag:$0x2] =	stream.linear.gather [hbm4b:s6+s1], $0x200, $0x38;
	[tilespmem:$0x12200] =	vst v63  }
0x26: {  	_ =	swait.ge [sflag:s4], $0x200  }
0x27: {  	[sflag:s4] =	ssyncset.done $0x0  }
0x28: {  	[sflag:s4] =	ssyncadd.s32 $0xFFFFFE00  }
0x29: {  	[tilespmem:s7], [sflag:$0x1] =	stream.indirect.gather [spmem:s2], $0x80, s1, s7, $0xb8;
	[tilespmem:$0x12200] =	vst v63  }
0x2a: {  	_ =	swait.ge [sflag:s8], $0x10000  }
.Ltmp2:
0x2b: {  	[sflag:s8] =	ssyncset.done $0x0;
	(pc) =	sbr.rel @p2 .LBB2_2-.Ltmp2, $4  }
0x2c: {  	[sflag:s8] =	ssyncadd.s32 $0xFFFF0000  }
0x2d: {  	[hbm4b:s3+s1] =	stream.linear.scatter [tilespmem:s7], [sflag:$0x2], $0x10000, $0x38;
	[tilespmem:$0x12200] =	vst v63  }
0x2e: {  	_ =	swait.ge [sflag:s4], $0x10000  }
0x2f: {  	[sflag:s4] =	ssyncset.done $0x0  }
.LBB2_3:
0x30: {  	s10 =	simm.s32 @!p0 $0x1C02;
	s11 =	simm.s32 @!p0 $0x2;
	[sflag:s4] =	ssyncadd.s32 @p1 $0xFFFF0000  }
0x31: {  	[spmem:s9], [sflag:s10] =	dma.local @!p0 [hbm:s5], $0x4000  }
0x32: {  	_ =	swait.ge @!p0 [sflag:s11], $0x4000  }
0x33: {  	[sflag:s11] =	ssyncset.done @!p0 $0x0  }
0x34: {  	[sflag:s11] =	ssyncadd.s32 @!p0 $0xFFFFC000  }
0x35: {  	[bflag:$0x0] =	sbarrier.arrive $0xFFFF  }
0x36: {  	[tilespmem:s1], [sflag:$0x2] =	stream.linear.gather [hbm4b:s6+s1], $0x200, $0x38;
	[tilespmem:$0x12200] =	vst v63  }
0x37: {  	_ =	swait.ge [sflag:s4], $0x200  }
0x38: {  	[sflag:s4] =	ssyncset.done $0x0  }
0x39: {  	[sflag:s4] =	ssyncadd.s32 $0xFFFFFE00  }
0x3a: {  	[tilespmem:s7], [sflag:$0x1] =	stream.indirect.gather [spmem:s2], $0x80, s1, s7, $0xb8;
	[tilespmem:$0x12200] =	vst v63  }
0x3b: {  	_ =	swait.ge [sflag:s8], $0x10000  }
0x3c: {  	[sflag:s8] =	ssyncset.done $0x0  }
0x3d: {  	[sflag:s8] =	ssyncadd.s32 $0xFFFF0000  }
0x3e: {  	[hbm4b:s3+s1] =	stream.linear.scatter [tilespmem:s7], [sflag:$0x2], $0x10000, $0x38;
	[tilespmem:$0x12200] =	vst v63  }
0x3f: {  	_ =	swait.ge [sflag:s4], $0x10000  }
0x40: {  	[sflag:s4] =	ssyncset.done $0x0  }
0x41: {  	[sflag:s4] =	ssyncadd.s32 $0xFFFF0000  }
0x42: {  	_ =	sfence.sel $0x180000  }
0x43: {  	[bflag:$0x0] =	sbarrier.arrive $0xFFFF  }
0x44: {  	_ =	strace $0x90000050  }
0x45: {  	s0 =	sadd.s32 @!p0 $0x100000, s0;
	[bflag:$0x2] =	sbarrier.arrive $0xFFFF  }
0x46: {  	[sflag:s0] =	ssyncadd.tile.s32 @!p0 $0x1;
	_ =	shalt  }
.Lfunc_end2:
_tile_overlayer_lowered:
.L_overlay_start_2:
0x47: {  	(tag) =	ssettag $0x2  }
0x48: {  	s0 =	rddreg [dreg:$0x0];
	s2 =	stileid.u32  }
0x49: {  	s1 =	rddreg [dreg:$0x1];
	p0 =	sne.s32 s2, $0x0  }
0x4a: {  	s3 =	rddreg [dreg:$0x2];
	[bflag:$0x3] =	sbarrier.arrive $0xFFFF;
	s2 =	simm.s32 @!p0 $0x1C02  }
0x4b: {  	[timem:s3], [sflag:s2] =	dma.local @!p0 [hbm:s0], s1  }
0x4c: {  	s0 =	simm.s32 @!p0 $0x2  }
0x4d: {  	_ =	swait.ge @!p0 [sflag:s0], s1  }
0x4e: {  	s1 =	ssub.s32 @!p0 $0x0, s1;
	[sflag:s0] =	ssyncset.done @!p0 $0x0  }
0x4f: {  	[sflag:s0] =	ssyncadd.s32 @!p0 s1  }
0x50: {  	[bflag:$0x3] =	sbarrier.arrive $0xFFFF  }
0x51: {  	_ =	shalt  }

// kernel: kernel.19.cloned.1.call-start
scs
__scs_entry_jumppad:
0x0: {  	(pc) =	sbr.rel $0x88, $3  }
0x1: {  	(tag) =	ssettag $0x0;
	lr =	simm.s32 $0x1  }
0x2: {  	[smem:$0x3F97] =	sst lr;
	_ =	strace $0xD0000000  }
0x3: {  	_ = 	snop  }
0x4: {  	_ = 	snop  }
0x5: {  	_ = 	snop  }
0x6: {  	_ = 	snop  }
0x7: {  	_ = 	snop  }
__scs_overlays_trampoline_lowered:
0x8: {  	[smem:$0x3FA6] =	sst s0  }
0x9: {  	[smem:$0x3FA7] =	sst s1  }
0xa: {  	[smem:$0x3FA8] =	sst s2  }
0xb: {  	[smem:$0x3FA9] =	sst s3  }
0xc: {  	[smem:$0x3FAA] =	sst s4  }
0xd: {  	[smem:$0x3FAB] =	sst s5  }
0xe: {  	[smem:$0x3FAC] =	sst s6  }
0xf: {  	[smem:$0x3FAD] =	sst s7  }
0x10: {  	[smem:$0x3FAE] =	sst s8  }
0x11: {  	[smem:$0x3FAF] =	sst s9;
	s0 =	simm.s32 @!p0 $0x0  }
0x12: {  	s1 =	sld [smem:$0x3F95];
	s0 =	simm.s32 @p0 $0x1  }
0x13: {  	[smem:$0x3FB0] =	sst s0;
	s0 =	simm.s32 @!p1 $0x0  }
0x14: {  	s2 =	sld [smem:$0x3F94];
	s0 =	simm.s32 @p1 $0x1  }
0x15: {  	[smem:$0x3FB1] =	sst s0;
	s0 =	simm.s32 @!p2 $0x0  }
0x16: {  	s3 =	sld [smem:$0x3FDB];
	s0 =	simm.s32 @p2 $0x1  }
0x17: {  	s4 =	simm.s32 $0x1BF5;
	[smem:$0x3FB3] =	sst s0  }
0x18: {  	s0 =	sld [smem:$0x3F96];
	_ =	swait.ge [sflag:s4], $0x0  }
0x19: {  	s7 =	sld [smem:$0x3F97]  }
0x1a: {  	s8 =	sadd.s32 $0xFFFFE003, lr  }
0x1b: {  	s9 =	sadd.s32 $0xFFFFFEF7, lr;
	s5 =	simm.s32 $0xFFFFFFFF;
	p2 =	slt.u32 s8, $0xFFFFF086  }
0x1c: {  	p1 =	slt.u32 s9, $0xF7A;
	s5 =	simm.s32 @!p2 $0x0  }
0x1d: {  	s5 =	simm.s32 @p1 $0x1;
	p0 =	seq.s32 s7, s2  }
0x1e: {  	s7 =	smul.u32 @!p0 $0xF7A, s2;
	p2 =	seq.s32 @!p0 s5, $0x0  }
0x1f: {  	s9 =	smul.u32 $0xF7A, s1;
	s8 =	simm.s32 @!p0 $0x1BF5;
	p2 =	por !p2, p0  }
0x20: {  	[sflag:s8] =	ssyncset.s32 @!p0 $0xFFFFF086;
	s6 =	sadd.s32 @!p0 s3, s7;
	s7 =	simm.s32 @!p0 $0x108  }
0x21: {  	s3 =	sadd.s32 s3, s9;
	s6 =	sadd.s32 @!p0 $0x88, s6;
	s7 =	simm.s32 @p2 $0x1082  }
0x22: {  	[simem:s7], [sflag:s8] =	dma.local @!p0 [hbm:s6], $0xF7A  }
0x23: {  	s9 =	sor.u32 $0xD0000000, s2;
	s6 =	simm.s32 $0x108;
	_ =	swait.ge @!p0 [sflag:s8], $0x0  }
0x24: {  	s3 =	sadd.s32 $0x88, s3;
	s6 =	simm.s32 @!p1 $0x1082;
	[sflag:s4] =	ssyncset.s32 $0xFFFFF086  }
0x25: {  	[simem:s6], [sflag:s4] =	dma.local [hbm:s3], $0xF7A  }
0x26: {  	[smem:$0x3F97] =	sst s1;
	(tag) =	ssettag s2;
	_ =	strace s9  }
0x27: {  	s1 =	sld [smem:$0x3FA7]  }
0x28: {  	s2 =	sld [smem:$0x3FA8]  }
0x29: {  	s4 =	sld [smem:$0x3FAA]  }
0x2a: {  	p0 =	seq.s32 s5, $0x0;
	s5 =	sld [smem:$0x3FAB]  }
0x2b: {  	s6 =	sld [smem:$0x3FAC]  }
0x2c: {  	s7 =	sld [smem:$0x3FAD]  }
0x2d: {  	s3 =	simm.s32 $0x108;
	s8 =	sld [smem:$0x3FAE]  }
0x2e: {  	s3 =	simm.s32 @!p0 $0x1082;
	s9 =	sld [smem:$0x3FAF]  }
0x2f: {  	lr =	sadd.s32 s0, s3;
	s0 =	sld [smem:$0x3FA6]  }
0x30: {  	s3 =	sld [smem:$0x3FA9]  }
0x31: {  	[smem:$0x3FB2] =	sst s10  }
0x32: {  	s10 =	sld [smem:$0x3FB0];
	_ =	sdelay $0x3  }
0x33: {  	p0 =	seq.s32 s10, $0x1;
	s10 =	sld [smem:$0x3FB2];
	_ =	sdelay $0x3  }
0x34: {  	[smem:$0x3FB2] =	sst s10  }
0x35: {  	s10 =	sld [smem:$0x3FB1];
	_ =	sdelay $0x3  }
0x36: {  	p1 =	seq.s32 s10, $0x1;
	s10 =	sld [smem:$0x3FB2];
	_ =	sdelay $0x3  }
0x37: {  	[smem:$0x3FB2] =	sst s10  }
0x38: {  	s10 =	sld [smem:$0x3FB3]  }
0x39: {  	_ = 	snop;
	(pc) =	sbr.ind lr, $3  }
0x3a: {  	_ = 	snop  }
0x3b: {  	_ = 	snop  }
0x3c: {  	p2 =	seq.s32 s10, $0x1;
	s10 =	sld [smem:$0x3FB2]  }
0x3d: {  	_ =	shalt  }
0x3e: {  	_ =	shalt  }
0x3f: {  	_ =	shalt  }
0x40: {  	_ =	shalt  }
0x41: {  	_ =	shalt  }
0x42: {  	_ =	shalt  }
0x43: {  	_ =	shalt  }
0x44: {  	_ =	shalt  }
0x45: {  	_ =	shalt  }
0x46: {  	_ =	shalt  }
0x47: {  	_ =	shalt  }
0x48: {  	_ =	shalt  }
0x49: {  	_ =	shalt  }
0x4a: {  	_ =	shalt  }
0x4b: {  	_ =	shalt  }
0x4c: {  	_ =	shalt  }
0x4d: {  	_ =	shalt  }
0x4e: {  	_ =	shalt  }
0x4f: {  	_ =	shalt  }
0x50: {  	_ =	shalt  }
0x51: {  	_ =	shalt  }
0x52: {  	_ =	shalt  }
0x53: {  	_ =	shalt  }
0x54: {  	_ =	shalt  }
0x55: {  	_ =	shalt  }
0x56: {  	_ =	shalt  }
0x57: {  	_ =	shalt  }
0x58: {  	_ =	shalt  }
0x59: {  	_ =	shalt  }
0x5a: {  	_ =	shalt  }
0x5b: {  	_ =	shalt  }
0x5c: {  	_ =	shalt  }
0x5d: {  	_ =	shalt  }
0x5e: {  	_ =	shalt  }
0x5f: {  	_ =	shalt  }
0x60: {  	_ =	shalt  }
0x61: {  	_ =	shalt  }
0x62: {  	_ =	shalt  }
0x63: {  	_ =	shalt  }
0x64: {  	_ =	shalt  }
0x65: {  	_ =	shalt  }
0x66: {  	_ =	shalt  }
0x67: {  	_ =	shalt  }
0x68: {  	_ =	shalt  }
0x69: {  	_ =	shalt  }
0x6a: {  	_ =	shalt  }
0x6b: {  	_ =	shalt  }
0x6c: {  	_ =	shalt  }
0x6d: {  	_ =	shalt  }
0x6e: {  	_ =	shalt  }
0x6f: {  	_ =	shalt  }
0x70: {  	_ =	shalt  }
0x71: {  	_ =	shalt  }
0x72: {  	_ =	shalt  }
0x73: {  	_ =	shalt  }
0x74: {  	_ =	shalt  }
0x75: {  	_ =	shalt  }
0x76: {  	_ =	shalt  }
0x77: {  	_ =	shalt  }
0x78: {  	_ =	shalt  }
0x79: {  	_ =	shalt  }
0x7a: {  	_ =	shalt  }
0x7b: {  	_ =	shalt  }
0x7c: {  	_ =	shalt  }
0x7d: {  	_ =	shalt  }
0x7e: {  	_ =	shalt  }
0x7f: {  	_ =	shalt  }
0x80: {  	_ =	shalt  }
0x81: {  	_ =	shalt  }
0x82: {  	_ =	shalt  }
0x83: {  	_ =	shalt  }
0x84: {  	_ =	shalt  }
0x85: {  	_ =	shalt  }
0x86: {  	_ =	shalt  }
0x87: {  	_ =	shalt  }
.Lfunc_end0:
.L_simem_size_0:
called_computation.3_lowered:
.L_overlay_start_0:
0x88: {  	s2 =	sld [smem:$0x3FD9]  }
0x89: {  	s3 =	sld [smem:$0x3FFE];
	_ =	sdelay $0x1  }
0x8a: {  	s1 =	srdreg.scid  }
0x8b: {  	s0 =	sand.u32 $0x1, s1  }
0x8c: {  	s17 =	sshll.u32 s0, $0xA;
	s2 =	sadd.s32 s3, s2  }
0x8d: {  	s2 =	sadd.s32 s2, s17  }
0x8e: {  	[smem:$0x3FBE] =	sst s2  }
0x8f: {  	_ = 	snop  }
0x90: {  	(tm) =	ssettm $0x1  }
0x91: {  	s18 =	sld [smem:$0x3FFB];
	_ =	sdelay $0x3  }
0x92: {  	_ =	strace s18  }
0x93: {  	s2 =	sld [smem:$0x3FFC];
	_ =	sdelay $0x3  }
0x94: {  	_ =	strace s2  }
0x95: {  	s2 =	sld [smem:$0x3FFD];
	_ =	sdelay $0x3  }
0x96: {  	_ =	strace s2  }
0x97: {  	_ =	strace $0x8FFFFFFF  }
0x98: {  	s19 =	sld [smem:$0x3FDB];
	_ =	sdelay $0x1  }
0x99: {  	s20 =	simm.s32 $_scs_section_size  }
0x9a: {  	s4 =	simm.s32 $_size__tile_overlayer_lowered;
	s5 =	simm.s32 $_tile_overlayer_lowered  }
0x9b: {  	s6 =	simm.s32 $0x1BFF;
	s21 =	sshll.u32 s5, $0x1;
	s3 =	sadd.s32 s20, s19  }
0x9c: {  	s22 =	simm.s32 $0x0;
	s4 =	sshll.u32 s4, $0x1;
	s5 =	sadd.s32 s21, s3  }
0x9d: {  	[timem:s22], [sflag:s6] =	dma.local [hbm:s5], s4  }
0x9e: {  	_ =	swait.ge [sflag:s6], s4  }
0x9f: {  	s4 =	ssub.s32 $0x0, s4;
	[sflag:s6] =	ssyncset.done $0x0  }
0xa0: {  	[sflag:s6] =	ssyncadd.s32 s4;
	_ =	sdelay $0x1  }
0xa1: {  	s23 =	simm.s32 $0x1B8B  }
0xa2: {  	_ =	swait.ge [sflag:s23], $0x1  }
0xa3: {  	[sflag:s23] =	ssyncset.done $0x0  }
0xa4: {  	[sflag:s23] =	ssyncadd.s32 $0xFFFFFFFF  }
0xa5: {  	s4 =	sld [smem:$0x0]  }
0xa6: {  	s5 =	sand.u32 $0xFFFFFFFE, s1  }
0xa7: {  	p0 =	sne.s32 s1, s5  }
0xa8: {  	s5 =	sshll.u32 @p0 s5, $0xE  }
0xa9: {  	s5 =	sadd.s32 @p0 $0x11B8D, s5;
	s6 =	sshll.u32 @p0 s4, $0x11  }
0xaa: {  	s5 =	sor.u32 @p0 s6, s5  }
0xab: {  	[sflag:s5] =	ssyncadd.remote.s32 @p0 $0x1;
	_ =	sdelay $0x1  }
0xac: {  	s5 =	simm.s32 @p0 $0x1B8D  }
0xad: {  	_ =	swait.eq @p0 [sflag:s5], $0x1  }
0xae: {  	[sflag:s5] =	ssyncadd.s32 @p0 $0xFFFFFFFF  }
0xaf: {  	s6 =	sshll.u32 @!p0 s1, $0xE  }
0xb0: {  	s6 =	sor.u32 @!p0 $0x4000, s6;
	s5 =	simm.s32 @!p0 $0x1B8D  }
0xb1: {  	s4 =	sshll.u32 @!p0 s4, $0x11;
	s6 =	sadd.s32 @!p0 $0x11B8D, s6;
	_ =	swait.eq @!p0 [sflag:s5], $0x1  }
0xb2: {  	s4 =	sor.u32 @!p0 s4, s6;
	[sflag:s5] =	ssyncadd.s32 @!p0 $0xFFFFFFFF  }
0xb3: {  	s25 =	simm.s32 $0x1B8E;
	s24 =	sld [smem:$0x3FFE];
	[sflag:s4] =	ssyncadd.remote.s32 @!p0 $0x1  }
0xb4: {  	s26 =	simm.s32 $execute0_lowered;
	[smem:$0x3FD2] =	sst s25  }
0xb5: {  	s5 =	sshll.u32 s26, $0x1;
	_ =	strace $0x80000049;
	[dreg:$0x1] =	wrdreg $0xFFFFFFFF  }
0xb6: {  	s28 =	simm.s32 $_size_execute0_lowered;
	s3 =	sadd.s32 s3, s5;
	[dreg:$0x0] =	wrdreg $0x0  }
0xb7: {  	s5 =	sshll.u32 s28, $0x1;
	[dreg:$0x2] =	wrdreg s3  }
0xb8: {  	[dreg:$0x3] =	wrdreg s5  }
0xb9: {  	[dreg:$0x4] =	wrdreg $0xC0  }
0xba: {  	_ =	task [dreg:s22], $0x5FFFF  }
0xbb: {  	[dreg:$0x1] =	wrdreg $0xFFFFFFFF  }
0xbc: {  	[dreg:$0x0] =	wrdreg $0x60  }
0xbd: {  	[dreg:$0x2] =	wrdreg s24  }
0xbe: {  	[dreg:$0x3] =	wrdreg $0x102000  }
0xbf: {  	[dreg:$0x4] =	wrdreg $0xC  }
0xc0: {  	_ =	task.clear_ibuf [dreg:s22], $0x5FFFF;
	_ =	strace $0x90000049  }
0xc1: {  	s29 =	simm.s32 $0xC;
	_ =	strace $0x8000004B  }
0xc2: {  	_ =	swait.ge [sflag:s29], $0x1  }
0xc3: {  	[sflag:s29] =	ssyncadd.s32 $0xFFFFFFFF  }
0xc4: {  	_ =	strace $0x9000004B  }
0xc5: {  	_ =	sfence  }
0xc6: {  	s30 =	sld [smem:$0x0];
	_ =	sdelay $0x2  }
0xc7: {  	s31 =	sshll.u32 s1, $0xD;
	s1 =	sshrl.u32 s1, $0x2  }
0xc8: {  	s4 =	sand.u32 $0x4000, s31;
	s1 =	sadd.s32 s1, s30  }
0xc9: {  	s0 =	sor.u32 s4, s0;
	s1 =	sshll.u32 s1, $0x11  }
0xca: {  	s0 =	sor.u32 s1, s0  }
0xcb: {  	s0 =	sadd.s32 $0x8F2B, s0  }
0xcc: {  	[sflag:s0] =	ssyncadd.remote.s32 $0x1  }
0xcd: {  	_ =	sfence.sel $0xFFFF  }
0xce: {  	[dreg:$0x0] =	wrdreg $0xFFFFFFFF;
	(pc) =	sbr.abs _section_cstart, $3  }
0xcf: {  	[dreg:$0x1] =	wrdreg $0xFFFFFFFF  }
0xd0: {  	_ =	task.clear_ibuf [dreg:s22], $0x2FFFF;
	_ =	strace $0x9FFFFFFF  }
0xd1: {  	(tm) =	ssettm $0x7FFFFFFF  }
tec
execute0_lowered:
.L_overlay_start_1:
0x0: {  	(tag) =	ssettag $0x1  }
0x1: {  	s4 =	srdreg.scid  }
0x2: {  	s4 =	sand.u32 $0x1, s4  }
0x3: {  	s6 =	sshll.u32 s4, $0x9;
	s4 =	ssub.s32 $0x2, s4  }
0x4: {  	s3 =	rddreg [dreg:$0x0];
	s9 =	sshrl.u32 s4, $0x1  }
0x5: {  	s2 =	rddreg [dreg:$0x1];
	s4 =	ssub.s32 s4, s9  }
0x6: {  	s0 =	rddreg [dreg:$0x2];
	s1 =	simm.s32 $0x0;
	s4 =	smax.u32 s4, $0x1  }
0x7: {  	s7 =	stileid.u32;
	p1 =	por $0x0, $0x0;
	s12 =	sadd.s32 $0xFFFFFFFF, s4  }
0x8: {  	[smem:$0x7FF] =	sst s1;
	s5 =	sshll.u32 s7, $0xA;
	p2 =	sne.s32 s12, $0x0  }
.Ltmp0:
0x9: {  	p0 =	sne.s32 s7, $0x0;
	s6 =	sor.u32 s6, s5;
	(pc) =	sbr.rel @!p2 .LBB2_3-.Ltmp0, $4  }
0xa: {  	s7 =	simm.s32 $0x200;
	_ =	strace $0x8000004A;
	s8 =	sshrl.u32 s6, $0x3  }
0xb: {  	s5 =	sadd.s32 $0x4200, s3;
	s6 =	sshll.u32 s6, $0x4;
	s8 =	sadd.s32 s8, s3  }
0xc: {  	s9 =	sshrl.u32 @!p0 s2, $0x3;
	s3 =	sadd.s32 s6, s3;
	s6 =	sadd.s32 $0x48A00, s8  }
0xd: {  	s3 =	sadd.s32 $0x49200, s3;
	s4 =	simm.s32 $0x2;
	s8 =	simm.s32 $0x1  }
0xe: {  	s10 =	simm.s32 @!p0 $0x1C02;
	s11 =	simm.s32 @!p0 $0x2  }
0xf: {  	[spmem:s9], [sflag:s10] =	dma.local @!p0 [hbm:s5], $0x4000  }
0x10: {  	_ =	swait.ge @!p0 [sflag:s11], $0x4000  }
0x11: {  	[sflag:s11] =	ssyncset.done @!p0 $0x0  }
0x12: {  	[sflag:s11] =	ssyncadd.s32 @!p0 $0xFFFFC000  }
0x13: {  	[bflag:$0x0] =	sbarrier.arrive $0xFFFF  }
0x14: {  	[tilespmem:s1], [sflag:$0x2] =	stream.linear.gather [hbm4b:s6+s1], $0x200, $0x38;
	[tilespmem:$0x12200] =	vst v63  }
0x15: {  	_ =	swait.ge [sflag:s4], $0x200  }
0x16: {  	[sflag:s4] =	ssyncset.done $0x0  }
0x17: {  	s12 =	sadd.s32 $0xFFFFFFFF, s12;
	[sflag:s4] =	ssyncadd.s32 $0xFFFFFE00  }
0x18: {  	[tilespmem:s7], [sflag:$0x1] =	stream.indirect.gather [spmem:s2], $0x80, s1, s7, $0xb8;
	[tilespmem:$0x12200] =	vst v63  }
0x19: {  	p2 =	sne.s32 s12, $0x0;
	_ =	swait.ge [sflag:s8], $0x10000  }
.Ltmp1:
0x1a: {  	[sflag:s8] =	ssyncset.done $0x0;
	(pc) =	sbr.rel @!p2 .LBB2_3-.Ltmp1, $4  }
0x1b: {  	[sflag:s8] =	ssyncadd.s32 $0xFFFF0000  }
0x1c: {  	[hbm4b:s3+s1] =	stream.linear.scatter [tilespmem:s7], [sflag:$0x2], $0x10000, $0x38;
	[tilespmem:$0x12200] =	vst v63  }
0x1d: {  	_ =	swait.ge [sflag:s4], $0x10000  }
0x1e: {  	p1 =	por $0x1, $0x1;
	[sflag:s4] =	ssyncset.done $0x0  }
.LBB2_2:
0x1f: {  	[sflag:s4] =	ssyncadd.s32 $0xFFFF0000  }
0x20: {  	[spmem:s9], [sflag:s10] =	dma.local @!p0 [hbm:s5], $0x4000  }
0x21: {  	s12 =	sadd.s32 $0xFFFFFFFF, s12;
	_ =	swait.ge @!p0 [sflag:s11], $0x4000  }
0x22: {  	p2 =	sne.s32 s12, $0x0;
	[sflag:s11] =	ssyncset.done @!p0 $0x0  }
0x23: {  	[sflag:s11] =	ssyncadd.s32 @!p0 $0xFFFFC000  }
0x24: {  	[bflag:$0x0] =	sbarrier.arrive $0xFFFF  }
0x25: {  	[tilespmem:s1], [sflag:$0x2] =	stream.linear.gather [hbm4b:s6+s1], $0x200, $0x38;
	[tilespmem:$0x12200] =	vst v63  }
0x26: {  	_ =	swait.ge [sflag:s4], $0x200  }
0x27: {  	[sflag:s4] =	ssyncset.done $0x0  }
0x28: {  	[sflag:s4] =	ssyncadd.s32 $0xFFFFFE00  }
0x29: {  	[tilespmem:s7], [sflag:$0x1] =	stream.indirect.gather [spmem:s2], $0x80, s1, s7, $0xb8;
	[tilespmem:$0x12200] =	vst v63  }
0x2a: {  	_ =	swait.ge [sflag:s8], $0x10000  }
.Ltmp2:
0x2b: {  	[sflag:s8] =	ssyncset.done $0x0;
	(pc) =	sbr.rel @p2 .LBB2_2-.Ltmp2, $4  }
0x2c: {  	[sflag:s8] =	ssyncadd.s32 $0xFFFF0000  }
0x2d: {  	[hbm4b:s3+s1] =	stream.linear.scatter [tilespmem:s7], [sflag:$0x2], $0x10000, $0x38;
	[tilespmem:$0x12200] =	vst v63  }
0x2e: {  	_ =	swait.ge [sflag:s4], $0x10000  }
0x2f: {  	[sflag:s4] =	ssyncset.done $0x0  }
.LBB2_3:
0x30: {  	s10 =	simm.s32 @!p0 $0x1C02;
	s11 =	simm.s32 @!p0 $0x2;
	[sflag:s4] =	ssyncadd.s32 @p1 $0xFFFF0000  }
0x31: {  	[spmem:s9], [sflag:s10] =	dma.local @!p0 [hbm:s5], $0x4000  }
0x32: {  	_ =	swait.ge @!p0 [sflag:s11], $0x4000  }
0x33: {  	[sflag:s11] =	ssyncset.done @!p0 $0x0  }
0x34: {  	[sflag:s11] =	ssyncadd.s32 @!p0 $0xFFFFC000  }
0x35: {  	[bflag:$0x0] =	sbarrier.arrive $0xFFFF  }
0x36: {  	[tilespmem:s1], [sflag:$0x2] =	stream.linear.gather [hbm4b:s6+s1], $0x200, $0x38;
	[tilespmem:$0x12200] =	vst v63  }
0x37: {  	_ =	swait.ge [sflag:s4], $0x200  }
0x38: {  	[sflag:s4] =	ssyncset.done $0x0  }
0x39: {  	[sflag:s4] =	ssyncadd.s32 $0xFFFFFE00  }
0x3a: {  	[tilespmem:s7], [sflag:$0x1] =	stream.indirect.gather [spmem:s2], $0x80, s1, s7, $0xb8;
	[tilespmem:$0x12200] =	vst v63  }
0x3b: {  	_ =	swait.ge [sflag:s8], $0x10000  }
0x3c: {  	[sflag:s8] =	ssyncset.done $0x0  }
0x3d: {  	[sflag:s8] =	ssyncadd.s32 $0xFFFF0000  }
0x3e: {  	[hbm4b:s3+s1] =	stream.linear.scatter [tilespmem:s7], [sflag:$0x2], $0x10000, $0x38;
	[tilespmem:$0x12200] =	vst v63  }
0x3f: {  	_ =	swait.ge [sflag:s4], $0x10000  }
0x40: {  	[sflag:s4] =	ssyncset.done $0x0  }
0x41: {  	[sflag:s4] =	ssyncadd.s32 $0xFFFF0000  }
0x42: {  	_ =	sfence.sel $0x180000  }
0x43: {  	[bflag:$0x0] =	sbarrier.arrive $0xFFFF  }
0x44: {  	_ =	strace $0x9000004A  }
0x45: {  	s0 =	sadd.s32 @!p0 $0x100000, s0;
	[bflag:$0x2] =	sbarrier.arrive $0xFFFF  }
0x46: {  	[sflag:s0] =	ssyncadd.tile.s32 @!p0 $0x1;
	_ =	shalt  }
.Lfunc_end2:
_tile_overlayer_lowered:
.L_overlay_start_2:
0x47: {  	(tag) =	ssettag $0x2  }
0x48: {  	s0 =	rddreg [dreg:$0x0];
	s2 =	stileid.u32  }
0x49: {  	s1 =	rddreg [dreg:$0x1];
	p0 =	sne.s32 s2, $0x0  }
0x4a: {  	s3 =	rddreg [dreg:$0x2];
	[bflag:$0x3] =	sbarrier.arrive $0xFFFF;
	s2 =	simm.s32 @!p0 $0x1C02  }
0x4b: {  	[timem:s3], [sflag:s2] =	dma.local @!p0 [hbm:s0], s1  }
0x4c: {  	s0 =	simm.s32 @!p0 $0x2  }
0x4d: {  	_ =	swait.ge @!p0 [sflag:s0], s1  }
0x4e: {  	s1 =	ssub.s32 @!p0 $0x0, s1;
	[sflag:s0] =	ssyncset.done @!p0 $0x0  }
0x4f: {  	[sflag:s0] =	ssyncadd.s32 @!p0 s1  }
0x50: {  	[bflag:$0x3] =	sbarrier.arrive $0xFFFF  }
0x51: {  	_ =	shalt  }

</sc_bundles>
